<compile_context>
chip_gen: v7x
topology: tpu7x:2x2x1
jax: 0.10.2.dev20260603
libtpu: 0.0.44.dev20260713+nightly
codegen_flags: <defaults>
</compile_context>

<pallas_src>
import jax
import jax.numpy as jnp
from jax import lax
from jax.experimental import pallas as pl
from jax.experimental.pallas import tpu as pltpu
from jax.experimental.pallas import tpu_sc as plsc

BATCH = 16384
EMBED_DIM = 32
GLOBAL_MEAN = 3.5
NUM_ROWS = 1000000

try:
    _info = plsc.get_sparse_core_info()
    NUM_CORES, NUM_SUBCORES, LANES = (
        _info.num_cores, _info.num_subcores, _info.num_lanes)
except Exception:
    NUM_CORES, NUM_SUBCORES, LANES = 2, 16, 16

NUM_WORKERS = NUM_CORES * NUM_SUBCORES
B_PER_W = BATCH // NUM_WORKERS
GROUPS = B_PER_W // LANES


def _body(x_hbm, p_hbm, q_hbm, bu_hbm, bi_hbm, out_hbm,
          uid_v, iid_v, p_rows, q_rows, bu_f, bi_f, out_v, sem):
    wid = lax.axis_index("s") * NUM_CORES + lax.axis_index("c")
    base = wid * B_PER_W

    pltpu.sync_copy(x_hbm.at[0, pl.ds(base, B_PER_W)], uid_v)
    pltpu.sync_copy(x_hbm.at[1, pl.ds(base, B_PER_W)], iid_v)

    def fix_ids(i, _):
        u = uid_v[pl.ds(i * LANES, LANES)] - 1
        uid_v[pl.ds(i * LANES, LANES)] = jnp.where(u < 0, u + NUM_ROWS, u)
        t = iid_v[pl.ds(i * LANES, LANES)] - 1
        iid_v[pl.ds(i * LANES, LANES)] = jnp.where(t < 0, t + NUM_ROWS, t)
        return _
    lax.fori_loop(0, GROUPS, fix_ids, None)

    cps = [
        pltpu.async_copy(p_hbm.at[uid_v], p_rows, sem),
        pltpu.async_copy(q_hbm.at[iid_v], q_rows, sem),
        pltpu.async_copy(bu_hbm.at[uid_v], bu_f, sem),
        pltpu.async_copy(bi_hbm.at[iid_v], bi_f, sem),
    ]
    for c in cps:
        c.wait()

    def dot_group(g, _):
        rows = g * LANES + lax.iota(jnp.int32, LANES)
        acc = (plsc.load_gather(bu_f, [rows])
               + plsc.load_gather(bi_f, [rows])
               + GLOBAL_MEAN)
        for d in range(EMBED_DIM):
            dd = jnp.full((LANES,), d, jnp.int32)
            acc += (plsc.load_gather(p_rows, [rows, dd])
                    * plsc.load_gather(q_rows, [rows, dd]))
        plsc.store_scatter(out_v, [rows], acc)
        return _
    lax.fori_loop(0, GROUPS, dot_group, None)

    pltpu.sync_copy(out_v, out_hbm.at[pl.ds(base, B_PER_W)])


@jax.jit
def kernel(x, P, Q, B_U, B_I):
    mesh = plsc.VectorSubcoreMesh(core_axis_name="c", subcore_axis_name="s")
    f = pl.kernel(
        _body,
        out_type=jax.ShapeDtypeStruct((BATCH,), jnp.float32),
        mesh=mesh,
        compiler_params=pltpu.CompilerParams(
            needs_layout_passes=False, use_tc_tiling_on_sc=False),
        scratch_types=[
            pltpu.VMEM((B_PER_W,), jnp.int32),
            pltpu.VMEM((B_PER_W,), jnp.int32),
            pltpu.VMEM((B_PER_W, EMBED_DIM), jnp.float32),
            pltpu.VMEM((B_PER_W, EMBED_DIM), jnp.float32),
            pltpu.VMEM((B_PER_W,), jnp.float32),
            pltpu.VMEM((B_PER_W,), jnp.float32),
            pltpu.VMEM((B_PER_W,), jnp.float32),
            pltpu.SemaphoreType.DMA,
        ],
    )
    return f(x, P, Q, B_U.reshape(-1), B_I.reshape(-1))

# --- scband reference (transcript-rebuilt; emitter-appended) ---
"""Pipeline reference for scband-regularized-svd-6004364280773 (READ-ONLY COPY).

The authoritative reference and input builder live on the scoring server;
editing this copy changes nothing except your own understanding.
"""

import jax, jax.numpy as jnp
import numpy as np

NUM_USERS = 1000000
NUM_ITEMS = 1000000
EMBED_DIM = 32
BATCH = 16384
GLOBAL_MEAN = 3.5


def setup_inputs(seed: int = 0) -> dict:
    key = jax.random.key(seed)
    k1, k2, k3, k4, k5 = jax.random.split(key, 5)
    x = jax.random.randint(k1, (2, BATCH), 0, NUM_USERS, dtype=jnp.int32)
    P = jax.random.normal(k2, (NUM_USERS, EMBED_DIM), dtype=jnp.float32) * 0.01
    Q = jax.random.normal(k3, (NUM_ITEMS, EMBED_DIM), dtype=jnp.float32) * 0.01
    B_U = jax.random.normal(k4, (NUM_USERS, 1), dtype=jnp.float32) * 0.01
    B_I = jax.random.normal(k5, (NUM_ITEMS, 1), dtype=jnp.float32) * 0.01
    return {"x": x, "P": P, "Q": Q, "B_U": B_U, "B_I": B_I}


def reference(x, P, Q, B_U, B_I):
    user_id = x[0] - 1
    item_id = x[1] - 1
    p_u = jnp.take(P, user_id, axis=0)
    q_i = jnp.take(Q, item_id, axis=0)
    b_u = jnp.take(B_U, user_id, axis=0)
    b_i = jnp.take(B_I, item_id, axis=0)
    pred_r_ui = jnp.sum(p_u * q_i, axis=1) + jnp.squeeze(b_u) + jnp.squeeze(b_i) + GLOBAL_MEAN
    return pred_r_ui

if __name__ == "__main__":
    import jax
    _d = setup_inputs()
    print(jax.jit(kernel)(*tuple(_d.values())))

</pallas_src>

<mosaic_0001>
#map = affine_map<(d0, d1) -> (0, 0)>
#map1 = affine_map<(d0, d1) -> (0)>
module attributes {stable_mosaic.version = 14 : i64} {
  func.func @_body(%arg0: i32, %arg1: i32, %arg2: memref<2x16384xi32, #tpu.memory_space<hbm>>, %arg3: memref<1000000x32xf32, #tpu.memory_space<hbm>>, %arg4: memref<1000000x32xf32, #tpu.memory_space<hbm>>, %arg5: memref<1000000xf32, #tpu.memory_space<hbm>>, %arg6: memref<1000000xf32, #tpu.memory_space<hbm>>, %arg7: memref<16384xf32, #tpu.memory_space<hbm>>, %arg8: memref<512xi32, #tpu.memory_space<vmem>>, %arg9: memref<512xi32, #tpu.memory_space<vmem>>, %arg10: memref<512x32xf32, #tpu.memory_space<vmem>>, %arg11: memref<512x32xf32, #tpu.memory_space<vmem>>, %arg12: memref<512xf32, #tpu.memory_space<vmem>>, %arg13: memref<512xf32, #tpu.memory_space<vmem>>, %arg14: memref<512xf32, #tpu.memory_space<vmem>>, %arg15: memref<!tpu.dma_semaphore, #tpu.memory_space<semaphore_mem>>) attributes {dimension_semantics = [#tpu.dimension_semantics<core_parallel>, #tpu.dimension_semantics<subcore_parallel>], iteration_bounds = array<i64: 2, 16>, scalar_prefetch = 0 : i64, scratch_operands = 8 : i64, tpu.core_type = #tpu.core_type<sc_vector_subcore>, window_params = [{transform_indices = #map}, {transform_indices = #map}, {transform_indices = #map}, {transform_indices = #map1}, {transform_indices = #map1}, {transform_indices = #map1}]} {
    %mul3A = arith.constant 2 : i32
    %mul3A_0 = arith.muli %arg1, %mul3A : i32
    %add3A = arith.addi %mul3A_0, %arg0 : i32
    %mul3A_1 = arith.constant 512 : i32
    %mul3A_2 = arith.muli %add3A, %mul3A_1 : i32
    %run_scoped3A = arith.constant 0 : i32
    "tpu.region"() ({
      %run_scoped3A_31 = tpu.sem_alloc : memref<!tpu.dma_semaphore, #tpu.memory_space<semaphore_mem>>
      %dma_start3A_32 = tpu.memref_slice %arg2[%run_scoped3A, %mul3A_2] : memref<2x16384xi32, #tpu.memory_space<hbm>> -> memref<1x512xi32, #tpu.memory_space<hbm>>
      %dma_start3A_33 = tpu.memref_squeeze %dma_start3A_32 : memref<1x512xi32, #tpu.memory_space<hbm>> -> memref<512xi32, #tpu.memory_space<hbm>>
      %dma_start3A_34 = tpu.memref_slice %arg2[%run_scoped3A, %mul3A_2] : memref<2x16384xi32, #tpu.memory_space<hbm>> -> memref<1x512xi32, #tpu.memory_space<hbm>>
      %dma_start3A_35 = tpu.memref_squeeze %dma_start3A_34 : memref<1x512xi32, #tpu.memory_space<hbm>> -> memref<512xi32, #tpu.memory_space<hbm>>
      tpu.enqueue_dma source(%dma_start3A_35 : memref<512xi32, #tpu.memory_space<hbm>>) target(%arg8 : memref<512xi32, #tpu.memory_space<vmem>>) target_semaphore(%run_scoped3A_31 : memref<!tpu.dma_semaphore, #tpu.memory_space<semaphore_mem>>)
      %dma_wait3A_36 = tpu.memref_slice %arg2[%run_scoped3A, %mul3A_2] : memref<2x16384xi32, #tpu.memory_space<hbm>> -> memref<1x512xi32, #tpu.memory_space<hbm>>
      %dma_wait3A_37 = tpu.memref_squeeze %dma_wait3A_36 : memref<1x512xi32, #tpu.memory_space<hbm>> -> memref<512xi32, #tpu.memory_space<hbm>>
      %dma_wait3A_38 = tpu.memref_slice %arg2[%run_scoped3A, %mul3A_2] : memref<2x16384xi32, #tpu.memory_space<hbm>> -> memref<1x512xi32, #tpu.memory_space<hbm>>
      %dma_wait3A_39 = tpu.memref_squeeze %dma_wait3A_38 : memref<1x512xi32, #tpu.memory_space<hbm>> -> memref<512xi32, #tpu.memory_space<hbm>>
      tpu.wait_dma2 semaphore(%run_scoped3A_31 : memref<!tpu.dma_semaphore, #tpu.memory_space<semaphore_mem>>) src(%dma_wait3A_39 : memref<512xi32, #tpu.memory_space<hbm>>) dst(%arg8 : memref<512xi32, #tpu.memory_space<vmem>>)
      tpu.yield
    }) : () -> ()
    %run_scoped3A_3 = arith.constant 1 : i32
    "tpu.region"() ({
      %run_scoped3A_31 = tpu.sem_alloc : memref<!tpu.dma_semaphore, #tpu.memory_space<semaphore_mem>>
      %dma_start3A_32 = tpu.memref_slice %arg2[%run_scoped3A_3, %mul3A_2] : memref<2x16384xi32, #tpu.memory_space<hbm>> -> memref<1x512xi32, #tpu.memory_space<hbm>>
      %dma_start3A_33 = tpu.memref_squeeze %dma_start3A_32 : memref<1x512xi32, #tpu.memory_space<hbm>> -> memref<512xi32, #tpu.memory_space<hbm>>
      %dma_start3A_34 = tpu.memref_slice %arg2[%run_scoped3A_3, %mul3A_2] : memref<2x16384xi32, #tpu.memory_space<hbm>> -> memref<1x512xi32, #tpu.memory_space<hbm>>
      %dma_start3A_35 = tpu.memref_squeeze %dma_start3A_34 : memref<1x512xi32, #tpu.memory_space<hbm>> -> memref<512xi32, #tpu.memory_space<hbm>>
      tpu.enqueue_dma source(%dma_start3A_35 : memref<512xi32, #tpu.memory_space<hbm>>) target(%arg9 : memref<512xi32, #tpu.memory_space<vmem>>) target_semaphore(%run_scoped3A_31 : memref<!tpu.dma_semaphore, #tpu.memory_space<semaphore_mem>>)
      %dma_wait3A_36 = tpu.memref_slice %arg2[%run_scoped3A_3, %mul3A_2] : memref<2x16384xi32, #tpu.memory_space<hbm>> -> memref<1x512xi32, #tpu.memory_space<hbm>>
      %dma_wait3A_37 = tpu.memref_squeeze %dma_wait3A_36 : memref<1x512xi32, #tpu.memory_space<hbm>> -> memref<512xi32, #tpu.memory_space<hbm>>
      %dma_wait3A_38 = tpu.memref_slice %arg2[%run_scoped3A_3, %mul3A_2] : memref<2x16384xi32, #tpu.memory_space<hbm>> -> memref<1x512xi32, #tpu.memory_space<hbm>>
      %dma_wait3A_39 = tpu.memref_squeeze %dma_wait3A_38 : memref<1x512xi32, #tpu.memory_space<hbm>> -> memref<512xi32, #tpu.memory_space<hbm>>
      tpu.wait_dma2 semaphore(%run_scoped3A_31 : memref<!tpu.dma_semaphore, #tpu.memory_space<semaphore_mem>>) src(%dma_wait3A_39 : memref<512xi32, #tpu.memory_space<hbm>>) dst(%arg9 : memref<512xi32, #tpu.memory_space<vmem>>)
      tpu.yield
    }) : () -> ()
    %scan3A = arith.constant 0 : i32
    %scan3A_4 = arith.constant 32 : i32
    %scan3A_5 = arith.addi %scan3A, %scan3A_4 : i32
    %scan3A_6 = arith.constant 1 : i32
    scf.for %scan3A_31 = %scan3A to %scan3A_5 step %scan3A_6  : i32 {
      %mul3A_32 = arith.constant 16 : i32
      %mul3A_33 = arith.muli %scan3A_31, %mul3A_32 : i32
      %get3A = arith.index_cast %mul3A_33 : i32 to index
      %get3A_34 = tpu.vector_load %arg8[%get3A] {strides = array<i32>} : memref<512xi32, #tpu.memory_space<vmem>>, vector<16xi32>,
      %sub3A = arith.constant 1 : i32
      %sub3A_35 = vector.broadcast %sub3A : i32 to vector<16xi32>
      %sub3A_36 = arith.subi %get3A_34, %sub3A_35 : vector<16xi32>
      %lt3A = arith.constant 0 : i32
      %lt3A_37 = vector.broadcast %lt3A : i32 to vector<16xi32>
      %lt3A_38 = arith.cmpi slt, %sub3A_36, %lt3A_37 : vector<16xi32>
      %add3A_39 = arith.constant 1000000 : i32
      %add3A_40 = vector.broadcast %add3A_39 : i32 to vector<16xi32>
      %add3A_41 = arith.addi %sub3A_36, %add3A_40 : vector<16xi32>
      %select_n3A = arith.select %lt3A_38, %add3A_41, %sub3A_36 : vector<16xi1>, vector<16xi32>
      %mul3A_42 = arith.constant 16 : i32
      %mul3A_43 = arith.muli %scan3A_31, %mul3A_42 : i32
      %swap3A = arith.index_cast %mul3A_43 : i32 to index
      %swap3A_44 = tpu.vector_load %arg8[%swap3A] {strides = array<i32>} : memref<512xi32, #tpu.memory_space<vmem>>, vector<16xi32>,
      tpu.vector_store %arg8[%swap3A], %select_n3A {strides = array<i32>} : memref<512xi32, #tpu.memory_space<vmem>>, vector<16xi32>,
      %mul3A_45 = arith.constant 16 : i32
      %mul3A_46 = arith.muli %scan3A_31, %mul3A_45 : i32
      %get3A_47 = arith.index_cast %mul3A_46 : i32 to index
      %get3A_48 = tpu.vector_load %arg9[%get3A_47] {strides = array<i32>} : memref<512xi32, #tpu.memory_space<vmem>>, vector<16xi32>,
      %sub3A_49 = arith.constant 1 : i32
      %sub3A_50 = vector.broadcast %sub3A_49 : i32 to vector<16xi32>
      %sub3A_51 = arith.subi %get3A_48, %sub3A_50 : vector<16xi32>
      %lt3A_52 = arith.constant 0 : i32
      %lt3A_53 = vector.broadcast %lt3A_52 : i32 to vector<16xi32>
      %lt3A_54 = arith.cmpi slt, %sub3A_51, %lt3A_53 : vector<16xi32>
      %add3A_55 = arith.constant 1000000 : i32
      %add3A_56 = vector.broadcast %add3A_55 : i32 to vector<16xi32>
      %add3A_57 = arith.addi %sub3A_51, %add3A_56 : vector<16xi32>
      %select_n3A_58 = arith.select %lt3A_54, %add3A_57, %sub3A_51 : vector<16xi1>, vector<16xi32>
      %mul3A_59 = arith.constant 16 : i32
      %mul3A_60 = arith.muli %scan3A_31, %mul3A_59 : i32
      %swap3A_61 = arith.index_cast %mul3A_60 : i32 to index
      %swap3A_62 = tpu.vector_load %arg9[%swap3A_61] {strides = array<i32>} : memref<512xi32, #tpu.memory_space<vmem>>, vector<16xi32>,
      tpu.vector_store %arg9[%swap3A_61], %select_n3A_58 {strides = array<i32>} : memref<512xi32, #tpu.memory_space<vmem>>, vector<16xi32>,
    }
    %scan3A_7 = arith.constant 32 : i32
    %dma_start3A = arith.constant 0 : i32
    %dma_start3A_8 = arith.constant 0 : i32
    %dma_start3A_9 = tpu.memref_slice %arg3[%dma_start3A, %dma_start3A_8] : memref<1000000x32xf32, #tpu.memory_space<hbm>> -> memref<1000000x32xf32, #tpu.memory_space<hbm>>
    tpu.enqueue_indirect_dma source(%dma_start3A_9 : memref<1000000x32xf32, #tpu.memory_space<hbm>>) target(%arg10 : memref<512x32xf32, #tpu.memory_space<vmem>>) offsets(%arg8 : memref<512xi32, #tpu.memory_space<vmem>>) semaphore(%arg15 : memref<!tpu.dma_semaphore, #tpu.memory_space<semaphore_mem>>)
    %dma_start3A_10 = arith.constant 0 : i32
    %dma_start3A_11 = arith.constant 0 : i32
    %dma_start3A_12 = tpu.memref_slice %arg4[%dma_start3A_10, %dma_start3A_11] : memref<1000000x32xf32, #tpu.memory_space<hbm>> -> memref<1000000x32xf32, #tpu.memory_space<hbm>>
    tpu.enqueue_indirect_dma source(%dma_start3A_12 : memref<1000000x32xf32, #tpu.memory_space<hbm>>) target(%arg11 : memref<512x32xf32, #tpu.memory_space<vmem>>) offsets(%arg9 : memref<512xi32, #tpu.memory_space<vmem>>) semaphore(%arg15 : memref<!tpu.dma_semaphore, #tpu.memory_space<semaphore_mem>>)
    %dma_start3A_13 = arith.constant 0 : i32
    %dma_start3A_14 = tpu.memref_slice %arg5[%dma_start3A_13] : memref<1000000xf32, #tpu.memory_space<hbm>> -> memref<1000000xf32, #tpu.memory_space<hbm>>
    tpu.enqueue_indirect_dma source(%dma_start3A_14 : memref<1000000xf32, #tpu.memory_space<hbm>>) target(%arg12 : memref<512xf32, #tpu.memory_space<vmem>>) offsets(%arg8 : memref<512xi32, #tpu.memory_space<vmem>>) semaphore(%arg15 : memref<!tpu.dma_semaphore, #tpu.memory_space<semaphore_mem>>)
    %dma_start3A_15 = arith.constant 0 : i32
    %dma_start3A_16 = tpu.memref_slice %arg6[%dma_start3A_15] : memref<1000000xf32, #tpu.memory_space<hbm>> -> memref<1000000xf32, #tpu.memory_space<hbm>>
    tpu.enqueue_indirect_dma source(%dma_start3A_16 : memref<1000000xf32, #tpu.memory_space<hbm>>) target(%arg13 : memref<512xf32, #tpu.memory_space<vmem>>) offsets(%arg9 : memref<512xi32, #tpu.memory_space<vmem>>) semaphore(%arg15 : memref<!tpu.dma_semaphore, #tpu.memory_space<semaphore_mem>>)
    %dma_wait3A = arith.constant 0 : i32
    %dma_wait3A_17 = arith.constant 0 : i32
    %dma_wait3A_18 = tpu.memref_slice %arg3[%dma_wait3A, %dma_wait3A_17] : memref<1000000x32xf32, #tpu.memory_space<hbm>> -> memref<1000000x32xf32, #tpu.memory_space<hbm>>
    tpu.wait_indirect_dma semaphore(%arg15 : memref<!tpu.dma_semaphore, #tpu.memory_space<semaphore_mem>>) src(%dma_wait3A_18 : memref<1000000x32xf32, #tpu.memory_space<hbm>>) dst(%arg10 : memref<512x32xf32, #tpu.memory_space<vmem>>)
    %dma_wait3A_19 = arith.constant 0 : i32
    %dma_wait3A_20 = arith.constant 0 : i32
    %dma_wait3A_21 = tpu.memref_slice %arg4[%dma_wait3A_19, %dma_wait3A_20] : memref<1000000x32xf32, #tpu.memory_space<hbm>> -> memref<1000000x32xf32, #tpu.memory_space<hbm>>
    tpu.wait_indirect_dma semaphore(%arg15 : memref<!tpu.dma_semaphore, #tpu.memory_space<semaphore_mem>>) src(%dma_wait3A_21 : memref<1000000x32xf32, #tpu.memory_space<hbm>>) dst(%arg11 : memref<512x32xf32, #tpu.memory_space<vmem>>)
    %dma_wait3A_22 = arith.constant 0 : i32
    %dma_wait3A_23 = tpu.memref_slice %arg5[%dma_wait3A_22] : memref<1000000xf32, #tpu.memory_space<hbm>> -> memref<1000000xf32, #tpu.memory_space<hbm>>
    tpu.wait_indirect_dma semaphore(%arg15 : memref<!tpu.dma_semaphore, #tpu.memory_space<semaphore_mem>>) src(%dma_wait3A_23 : memref<1000000xf32, #tpu.memory_space<hbm>>) dst(%arg12 : memref<512xf32, #tpu.memory_space<vmem>>)
    %dma_wait3A_24 = arith.constant 0 : i32
    %dma_wait3A_25 = tpu.memref_slice %arg6[%dma_wait3A_24] : memref<1000000xf32, #tpu.memory_space<hbm>> -> memref<1000000xf32, #tpu.memory_space<hbm>>
    tpu.wait_indirect_dma semaphore(%arg15 : memref<!tpu.dma_semaphore, #tpu.memory_space<semaphore_mem>>) src(%dma_wait3A_25 : memref<1000000xf32, #tpu.memory_space<hbm>>) dst(%arg13 : memref<512xf32, #tpu.memory_space<vmem>>)
    %scan3A_26 = arith.constant 0 : i32
    %scan3A_27 = arith.constant 32 : i32
    %scan3A_28 = arith.addi %scan3A_26, %scan3A_27 : i32
    %scan3A_29 = arith.constant 1 : i32
    scf.for %scan3A_31 = %scan3A_26 to %scan3A_28 step %scan3A_29  : i32 {
      %mul3A_32 = arith.constant 16 : i32
      %mul3A_33 = arith.muli %scan3A_31, %mul3A_32 : i32
      %iota3A = tpu.iota {dimensions = array<i32: 0>} : vector<16xi32>
      %add3A_34 = vector.broadcast %mul3A_33 : i32 to vector<16xi32>
      %add3A_35 = arith.addi %add3A_34, %iota3A : vector<16xi32>
      %gather3A = tpu.vector_load_idx %arg12[%add3A_35] : memref<512xf32, #tpu.memory_space<vmem>>[vector<16xi32>], vector<16xf32>,
      %gather3A_36 = tpu.vector_load_idx %arg13[%add3A_35] : memref<512xf32, #tpu.memory_space<vmem>>[vector<16xi32>], vector<16xf32>,
      %add3A_37 = arith.addf %gather3A, %gather3A_36 : vector<16xf32>
      %add3A_38 = arith.constant 3.500000e+00 : f32
      %add3A_39 = vector.broadcast %add3A_38 : f32 to vector<16xf32>
      %add3A_40 = arith.addf %add3A_37, %add3A_39 : vector<16xf32>
      %broadcast_in_dim3A = arith.constant 0 : i32
      %broadcast_in_dim3A_41 = vector.broadcast %broadcast_in_dim3A : i32 to vector<16xi32>
      %gather3A_42 = tpu.vector_load_idx %arg10[%add3A_35, %broadcast_in_dim3A_41] : memref<512x32xf32, #tpu.memory_space<vmem>>[vector<16xi32>, vector<16xi32>], vector<16xf32>,
      %gather3A_43 = tpu.vector_load_idx %arg11[%add3A_35, %broadcast_in_dim3A_41] : memref<512x32xf32, #tpu.memory_space<vmem>>[vector<16xi32>, vector<16xi32>], vector<16xf32>,
      %mul3A_44 = arith.mulf %gather3A_42, %gather3A_43 : vector<16xf32>
      %add3A_45 = arith.addf %add3A_40, %mul3A_44 : vector<16xf32>
      %broadcast_in_dim3A_46 = arith.constant 1 : i32
      %broadcast_in_dim3A_47 = vector.broadcast %broadcast_in_dim3A_46 : i32 to vector<16xi32>
      %gather3A_48 = tpu.vector_load_idx %arg10[%add3A_35, %broadcast_in_dim3A_47] : memref<512x32xf32, #tpu.memory_space<vmem>>[vector<16xi32>, vector<16xi32>], vector<16xf32>,
      %gather3A_49 = tpu.vector_load_idx %arg11[%add3A_35, %broadcast_in_dim3A_47] : memref<512x32xf32, #tpu.memory_space<vmem>>[vector<16xi32>, vector<16xi32>], vector<16xf32>,
      %mul3A_50 = arith.mulf %gather3A_48, %gather3A_49 : vector<16xf32>
      %add3A_51 = arith.addf %add3A_45, %mul3A_50 : vector<16xf32>
      %broadcast_in_dim3A_52 = arith.constant 2 : i32
      %broadcast_in_dim3A_53 = vector.broadcast %broadcast_in_dim3A_52 : i32 to vector<16xi32>
      %gather3A_54 = tpu.vector_load_idx %arg10[%add3A_35, %broadcast_in_dim3A_53] : memref<512x32xf32, #tpu.memory_space<vmem>>[vector<16xi32>, vector<16xi32>], vector<16xf32>,
      %gather3A_55 = tpu.vector_load_idx %arg11[%add3A_35, %broadcast_in_dim3A_53] : memref<512x32xf32, #tpu.memory_space<vmem>>[vector<16xi32>, vector<16xi32>], vector<16xf32>,
      %mul3A_56 = arith.mulf %gather3A_54, %gather3A_55 : vector<16xf32>
      %add3A_57 = arith.addf %add3A_51, %mul3A_56 : vector<16xf32>
      %broadcast_in_dim3A_58 = arith.constant 3 : i32
      %broadcast_in_dim3A_59 = vector.broadcast %broadcast_in_dim3A_58 : i32 to vector<16xi32>
      %gather3A_60 = tpu.vector_load_idx %arg10[%add3A_35, %broadcast_in_dim3A_59] : memref<512x32xf32, #tpu.memory_space<vmem>>[vector<16xi32>, vector<16xi32>], vector<16xf32>,
      %gather3A_61 = tpu.vector_load_idx %arg11[%add3A_35, %broadcast_in_dim3A_59] : memref<512x32xf32, #tpu.memory_space<vmem>>[vector<16xi32>, vector<16xi32>], vector<16xf32>,
      %mul3A_62 = arith.mulf %gather3A_60, %gather3A_61 : vector<16xf32>
      %add3A_63 = arith.addf %add3A_57, %mul3A_62 : vector<16xf32>
      %broadcast_in_dim3A_64 = arith.constant 4 : i32
      %broadcast_in_dim3A_65 = vector.broadcast %broadcast_in_dim3A_64 : i32 to vector<16xi32>
      %gather3A_66 = tpu.vector_load_idx %arg10[%add3A_35, %broadcast_in_dim3A_65] : memref<512x32xf32, #tpu.memory_space<vmem>>[vector<16xi32>, vector<16xi32>], vector<16xf32>,
      %gather3A_67 = tpu.vector_load_idx %arg11[%add3A_35, %broadcast_in_dim3A_65] : memref<512x32xf32, #tpu.memory_space<vmem>>[vector<16xi32>, vector<16xi32>], vector<16xf32>,
      %mul3A_68 = arith.mulf %gather3A_66, %gather3A_67 : vector<16xf32>
      %add3A_69 = arith.addf %add3A_63, %mul3A_68 : vector<16xf32>
      %broadcast_in_dim3A_70 = arith.constant 5 : i32
      %broadcast_in_dim3A_71 = vector.broadcast %broadcast_in_dim3A_70 : i32 to vector<16xi32>
      %gather3A_72 = tpu.vector_load_idx %arg10[%add3A_35, %broadcast_in_dim3A_71] : memref<512x32xf32, #tpu.memory_space<vmem>>[vector<16xi32>, vector<16xi32>], vector<16xf32>,
      %gather3A_73 = tpu.vector_load_idx %arg11[%add3A_35, %broadcast_in_dim3A_71] : memref<512x32xf32, #tpu.memory_space<vmem>>[vector<16xi32>, vector<16xi32>], vector<16xf32>,
      %mul3A_74 = arith.mulf %gather3A_72, %gather3A_73 : vector<16xf32>
      %add3A_75 = arith.addf %add3A_69, %mul3A_74 : vector<16xf32>
      %broadcast_in_dim3A_76 = arith.constant 6 : i32
      %broadcast_in_dim3A_77 = vector.broadcast %broadcast_in_dim3A_76 : i32 to vector<16xi32>
      %gather3A_78 = tpu.vector_load_idx %arg10[%add3A_35, %broadcast_in_dim3A_77] : memref<512x32xf32, #tpu.memory_space<vmem>>[vector<16xi32>, vector<16xi32>], vector<16xf32>,
      %gather3A_79 = tpu.vector_load_idx %arg11[%add3A_35, %broadcast_in_dim3A_77] : memref<512x32xf32, #tpu.memory_space<vmem>>[vector<16xi32>, vector<16xi32>], vector<16xf32>,
      %mul3A_80 = arith.mulf %gather3A_78, %gather3A_79 : vector<16xf32>
      %add3A_81 = arith.addf %add3A_75, %mul3A_80 : vector<16xf32>
      %broadcast_in_dim3A_82 = arith.constant 7 : i32
      %broadcast_in_dim3A_83 = vector.broadcast %broadcast_in_dim3A_82 : i32 to vector<16xi32>
      %gather3A_84 = tpu.vector_load_idx %arg10[%add3A_35, %broadcast_in_dim3A_83] : memref<512x32xf32, #tpu.memory_space<vmem>>[vector<16xi32>, vector<16xi32>], vector<16xf32>,
      %gather3A_85 = tpu.vector_load_idx %arg11[%add3A_35, %broadcast_in_dim3A_83] : memref<512x32xf32, #tpu.memory_space<vmem>>[vector<16xi32>, vector<16xi32>], vector<16xf32>,
      %mul3A_86 = arith.mulf %gather3A_84, %gather3A_85 : vector<16xf32>
      %add3A_87 = arith.addf %add3A_81, %mul3A_86 : vector<16xf32>
      %broadcast_in_dim3A_88 = arith.constant 8 : i32
      %broadcast_in_dim3A_89 = vector.broadcast %broadcast_in_dim3A_88 : i32 to vector<16xi32>
      %gather3A_90 = tpu.vector_load_idx %arg10[%add3A_35, %broadcast_in_dim3A_89] : memref<512x32xf32, #tpu.memory_space<vmem>>[vector<16xi32>, vector<16xi32>], vector<16xf32>,
      %gather3A_91 = tpu.vector_load_idx %arg11[%add3A_35, %broadcast_in_dim3A_89] : memref<512x32xf32, #tpu.memory_space<vmem>>[vector<16xi32>, vector<16xi32>], vector<16xf32>,
      %mul3A_92 = arith.mulf %gather3A_90, %gather3A_91 : vector<16xf32>
      %add3A_93 = arith.addf %add3A_87, %mul3A_92 : vector<16xf32>
      %broadcast_in_dim3A_94 = arith.constant 9 : i32
      %broadcast_in_dim3A_95 = vector.broadcast %broadcast_in_dim3A_94 : i32 to vector<16xi32>
      %gather3A_96 = tpu.vector_load_idx %arg10[%add3A_35, %broadcast_in_dim3A_95] : memref<512x32xf32, #tpu.memory_space<vmem>>[vector<16xi32>, vector<16xi32>], vector<16xf32>,
      %gather3A_97 = tpu.vector_load_idx %arg11[%add3A_35, %broadcast_in_dim3A_95] : memref<512x32xf32, #tpu.memory_space<vmem>>[vector<16xi32>, vector<16xi32>], vector<16xf32>,
      %mul3A_98 = arith.mulf %gather3A_96, %gather3A_97 : vector<16xf32>
      %add3A_99 = arith.addf %add3A_93, %mul3A_98 : vector<16xf32>
      %broadcast_in_dim3A_100 = arith.constant 10 : i32
      %broadcast_in_dim3A_101 = vector.broadcast %broadcast_in_dim3A_100 : i32 to vector<16xi32>
      %gather3A_102 = tpu.vector_load_idx %arg10[%add3A_35, %broadcast_in_dim3A_101] : memref<512x32xf32, #tpu.memory_space<vmem>>[vector<16xi32>, vector<16xi32>], vector<16xf32>,
      %gather3A_103 = tpu.vector_load_idx %arg11[%add3A_35, %broadcast_in_dim3A_101] : memref<512x32xf32, #tpu.memory_space<vmem>>[vector<16xi32>, vector<16xi32>], vector<16xf32>,
      %mul3A_104 = arith.mulf %gather3A_102, %gather3A_103 : vector<16xf32>
      %add3A_105 = arith.addf %add3A_99, %mul3A_104 : vector<16xf32>
      %broadcast_in_dim3A_106 = arith.constant 11 : i32
      %broadcast_in_dim3A_107 = vector.broadcast %broadcast_in_dim3A_106 : i32 to vector<16xi32>
      %gather3A_108 = tpu.vector_load_idx %arg10[%add3A_35, %broadcast_in_dim3A_107] : memref<512x32xf32, #tpu.memory_space<vmem>>[vector<16xi32>, vector<16xi32>], vector<16xf32>,
      %gather3A_109 = tpu.vector_load_idx %arg11[%add3A_35, %broadcast_in_dim3A_107] : memref<512x32xf32, #tpu.memory_space<vmem>>[vector<16xi32>, vector<16xi32>], vector<16xf32>,
      %mul3A_110 = arith.mulf %gather3A_108, %gather3A_109 : vector<16xf32>
      %add3A_111 = arith.addf %add3A_105, %mul3A_110 : vector<16xf32>
      %broadcast_in_dim3A_112 = arith.constant 12 : i32
      %broadcast_in_dim3A_113 = vector.broadcast %broadcast_in_dim3A_112 : i32 to vector<16xi32>
      %gather3A_114 = tpu.vector_load_idx %arg10[%add3A_35, %broadcast_in_dim3A_113] : memref<512x32xf32, #tpu.memory_space<vmem>>[vector<16xi32>, vector<16xi32>], vector<16xf32>,
      %gather3A_115 = tpu.vector_load_idx %arg11[%add3A_35, %broadcast_in_dim3A_113] : memref<512x32xf32, #tpu.memory_space<vmem>>[vector<16xi32>, vector<16xi32>], vector<16xf32>,
      %mul3A_116 = arith.mulf %gather3A_114, %gather3A_115 : vector<16xf32>
      %add3A_117 = arith.addf %add3A_111, %mul3A_116 : vector<16xf32>
      %broadcast_in_dim3A_118 = arith.constant 13 : i32
      %broadcast_in_dim3A_119 = vector.broadcast %broadcast_in_dim3A_118 : i32 to vector<16xi32>
      %gather3A_120 = tpu.vector_load_idx %arg10[%add3A_35, %broadcast_in_dim3A_119] : memref<512x32xf32, #tpu.memory_space<vmem>>[vector<16xi32>, vector<16xi32>], vector<16xf32>,
      %gather3A_121 = tpu.vector_load_idx %arg11[%add3A_35, %broadcast_in_dim3A_119] : memref<512x32xf32, #tpu.memory_space<vmem>>[vector<16xi32>, vector<16xi32>], vector<16xf32>,
      %mul3A_122 = arith.mulf %gather3A_120, %gather3A_121 : vector<16xf32>
      %add3A_123 = arith.addf %add3A_117, %mul3A_122 : vector<16xf32>
      %broadcast_in_dim3A_124 = arith.constant 14 : i32
      %broadcast_in_dim3A_125 = vector.broadcast %broadcast_in_dim3A_124 : i32 to vector<16xi32>
      %gather3A_126 = tpu.vector_load_idx %arg10[%add3A_35, %broadcast_in_dim3A_125] : memref<512x32xf32, #tpu.memory_space<vmem>>[vector<16xi32>, vector<16xi32>], vector<16xf32>,
      %gather3A_127 = tpu.vector_load_idx %arg11[%add3A_35, %broadcast_in_dim3A_125] : memref<512x32xf32, #tpu.memory_space<vmem>>[vector<16xi32>, vector<16xi32>], vector<16xf32>,
      %mul3A_128 = arith.mulf %gather3A_126, %gather3A_127 : vector<16xf32>
      %add3A_129 = arith.addf %add3A_123, %mul3A_128 : vector<16xf32>
      %broadcast_in_dim3A_130 = arith.constant 15 : i32
      %broadcast_in_dim3A_131 = vector.broadcast %broadcast_in_dim3A_130 : i32 to vector<16xi32>
      %gather3A_132 = tpu.vector_load_idx %arg10[%add3A_35, %broadcast_in_dim3A_131] : memref<512x32xf32, #tpu.memory_space<vmem>>[vector<16xi32>, vector<16xi32>], vector<16xf32>,
      %gather3A_133 = tpu.vector_load_idx %arg11[%add3A_35, %broadcast_in_dim3A_131] : memref<512x32xf32, #tpu.memory_space<vmem>>[vector<16xi32>, vector<16xi32>], vector<16xf32>,
      %mul3A_134 = arith.mulf %gather3A_132, %gather3A_133 : vector<16xf32>
      %add3A_135 = arith.addf %add3A_129, %mul3A_134 : vector<16xf32>
      %broadcast_in_dim3A_136 = arith.constant 16 : i32
      %broadcast_in_dim3A_137 = vector.broadcast %broadcast_in_dim3A_136 : i32 to vector<16xi32>
      %gather3A_138 = tpu.vector_load_idx %arg10[%add3A_35, %broadcast_in_dim3A_137] : memref<512x32xf32, #tpu.memory_space<vmem>>[vector<16xi32>, vector<16xi32>], vector<16xf32>,
      %gather3A_139 = tpu.vector_load_idx %arg11[%add3A_35, %broadcast_in_dim3A_137] : memref<512x32xf32, #tpu.memory_space<vmem>>[vector<16xi32>, vector<16xi32>], vector<16xf32>,
      %mul3A_140 = arith.mulf %gather3A_138, %gather3A_139 : vector<16xf32>
      %add3A_141 = arith.addf %add3A_135, %mul3A_140 : vector<16xf32>
      %broadcast_in_dim3A_142 = arith.constant 17 : i32
      %broadcast_in_dim3A_143 = vector.broadcast %broadcast_in_dim3A_142 : i32 to vector<16xi32>
      %gather3A_144 = tpu.vector_load_idx %arg10[%add3A_35, %broadcast_in_dim3A_143] : memref<512x32xf32, #tpu.memory_space<vmem>>[vector<16xi32>, vector<16xi32>], vector<16xf32>,
      %gather3A_145 = tpu.vector_load_idx %arg11[%add3A_35, %broadcast_in_dim3A_143] : memref<512x32xf32, #tpu.memory_space<vmem>>[vector<16xi32>, vector<16xi32>], vector<16xf32>,
      %mul3A_146 = arith.mulf %gather3A_144, %gather3A_145 : vector<16xf32>
      %add3A_147 = arith.addf %add3A_141, %mul3A_146 : vector<16xf32>
      %broadcast_in_dim3A_148 = arith.constant 18 : i32
      %broadcast_in_dim3A_149 = vector.broadcast %broadcast_in_dim3A_148 : i32 to vector<16xi32>
      %gather3A_150 = tpu.vector_load_idx %arg10[%add3A_35, %broadcast_in_dim3A_149] : memref<512x32xf32, #tpu.memory_space<vmem>>[vector<16xi32>, vector<16xi32>], vector<16xf32>,
      %gather3A_151 = tpu.vector_load_idx %arg11[%add3A_35, %broadcast_in_dim3A_149] : memref<512x32xf32, #tpu.memory_space<vmem>>[vector<16xi32>, vector<16xi32>], vector<16xf32>,
      %mul3A_152 = arith.mulf %gather3A_150, %gather3A_151 : vector<16xf32>
      %add3A_153 = arith.addf %add3A_147, %mul3A_152 : vector<16xf32>
      %broadcast_in_dim3A_154 = arith.constant 19 : i32
      %broadcast_in_dim3A_155 = vector.broadcast %broadcast_in_dim3A_154 : i32 to vector<16xi32>
      %gather3A_156 = tpu.vector_load_idx %arg10[%add3A_35, %broadcast_in_dim3A_155] : memref<512x32xf32, #tpu.memory_space<vmem>>[vector<16xi32>, vector<16xi32>], vector<16xf32>,
      %gather3A_157 = tpu.vector_load_idx %arg11[%add3A_35, %broadcast_in_dim3A_155] : memref<512x32xf32, #tpu.memory_space<vmem>>[vector<16xi32>, vector<16xi32>], vector<16xf32>,
      %mul3A_158 = arith.mulf %gather3A_156, %gather3A_157 : vector<16xf32>
      %add3A_159 = arith.addf %add3A_153, %mul3A_158 : vector<16xf32>
      %broadcast_in_dim3A_160 = arith.constant 20 : i32
      %broadcast_in_dim3A_161 = vector.broadcast %broadcast_in_dim3A_160 : i32 to vector<16xi32>
      %gather3A_162 = tpu.vector_load_idx %arg10[%add3A_35, %broadcast_in_dim3A_161] : memref<512x32xf32, #tpu.memory_space<vmem>>[vector<16xi32>, vector<16xi32>], vector<16xf32>,
      %gather3A_163 = tpu.vector_load_idx %arg11[%add3A_35, %broadcast_in_dim3A_161] : memref<512x32xf32, #tpu.memory_space<vmem>>[vector<16xi32>, vector<16xi32>], vector<16xf32>,
      %mul3A_164 = arith.mulf %gather3A_162, %gather3A_163 : vector<16xf32>
      %add3A_165 = arith.addf %add3A_159, %mul3A_164 : vector<16xf32>
      %broadcast_in_dim3A_166 = arith.constant 21 : i32
      %broadcast_in_dim3A_167 = vector.broadcast %broadcast_in_dim3A_166 : i32 to vector<16xi32>
      %gather3A_168 = tpu.vector_load_idx %arg10[%add3A_35, %broadcast_in_dim3A_167] : memref<512x32xf32, #tpu.memory_space<vmem>>[vector<16xi32>, vector<16xi32>], vector<16xf32>,
      %gather3A_169 = tpu.vector_load_idx %arg11[%add3A_35, %broadcast_in_dim3A_167] : memref<512x32xf32, #tpu.memory_space<vmem>>[vector<16xi32>, vector<16xi32>], vector<16xf32>,
      %mul3A_170 = arith.mulf %gather3A_168, %gather3A_169 : vector<16xf32>
      %add3A_171 = arith.addf %add3A_165, %mul3A_170 : vector<16xf32>
      %broadcast_in_dim3A_172 = arith.constant 22 : i32
      %broadcast_in_dim3A_173 = vector.broadcast %broadcast_in_dim3A_172 : i32 to vector<16xi32>
      %gather3A_174 = tpu.vector_load_idx %arg10[%add3A_35, %broadcast_in_dim3A_173] : memref<512x32xf32, #tpu.memory_space<vmem>>[vector<16xi32>, vector<16xi32>], vector<16xf32>,
      %gather3A_175 = tpu.vector_load_idx %arg11[%add3A_35, %broadcast_in_dim3A_173] : memref<512x32xf32, #tpu.memory_space<vmem>>[vector<16xi32>, vector<16xi32>], vector<16xf32>,
      %mul3A_176 = arith.mulf %gather3A_174, %gather3A_175 : vector<16xf32>
      %add3A_177 = arith.addf %add3A_171, %mul3A_176 : vector<16xf32>
      %broadcast_in_dim3A_178 = arith.constant 23 : i32
      %broadcast_in_dim3A_179 = vector.broadcast %broadcast_in_dim3A_178 : i32 to vector<16xi32>
      %gather3A_180 = tpu.vector_load_idx %arg10[%add3A_35, %broadcast_in_dim3A_179] : memref<512x32xf32, #tpu.memory_space<vmem>>[vector<16xi32>, vector<16xi32>], vector<16xf32>,
      %gather3A_181 = tpu.vector_load_idx %arg11[%add3A_35, %broadcast_in_dim3A_179] : memref<512x32xf32, #tpu.memory_space<vmem>>[vector<16xi32>, vector<16xi32>], vector<16xf32>,
      %mul3A_182 = arith.mulf %gather3A_180, %gather3A_181 : vector<16xf32>
      %add3A_183 = arith.addf %add3A_177, %mul3A_182 : vector<16xf32>
      %broadcast_in_dim3A_184 = arith.constant 24 : i32
      %broadcast_in_dim3A_185 = vector.broadcast %broadcast_in_dim3A_184 : i32 to vector<16xi32>
      %gather3A_186 = tpu.vector_load_idx %arg10[%add3A_35, %broadcast_in_dim3A_185] : memref<512x32xf32, #tpu.memory_space<vmem>>[vector<16xi32>, vector<16xi32>], vector<16xf32>,
      %gather3A_187 = tpu.vector_load_idx %arg11[%add3A_35, %broadcast_in_dim3A_185] : memref<512x32xf32, #tpu.memory_space<vmem>>[vector<16xi32>, vector<16xi32>], vector<16xf32>,
      %mul3A_188 = arith.mulf %gather3A_186, %gather3A_187 : vector<16xf32>
      %add3A_189 = arith.addf %add3A_183, %mul3A_188 : vector<16xf32>
      %broadcast_in_dim3A_190 = arith.constant 25 : i32
      %broadcast_in_dim3A_191 = vector.broadcast %broadcast_in_dim3A_190 : i32 to vector<16xi32>
      %gather3A_192 = tpu.vector_load_idx %arg10[%add3A_35, %broadcast_in_dim3A_191] : memref<512x32xf32, #tpu.memory_space<vmem>>[vector<16xi32>, vector<16xi32>], vector<16xf32>,
      %gather3A_193 = tpu.vector_load_idx %arg11[%add3A_35, %broadcast_in_dim3A_191] : memref<512x32xf32, #tpu.memory_space<vmem>>[vector<16xi32>, vector<16xi32>], vector<16xf32>,
      %mul3A_194 = arith.mulf %gather3A_192, %gather3A_193 : vector<16xf32>
      %add3A_195 = arith.addf %add3A_189, %mul3A_194 : vector<16xf32>
      %broadcast_in_dim3A_196 = arith.constant 26 : i32
      %broadcast_in_dim3A_197 = vector.broadcast %broadcast_in_dim3A_196 : i32 to vector<16xi32>
      %gather3A_198 = tpu.vector_load_idx %arg10[%add3A_35, %broadcast_in_dim3A_197] : memref<512x32xf32, #tpu.memory_space<vmem>>[vector<16xi32>, vector<16xi32>], vector<16xf32>,
      %gather3A_199 = tpu.vector_load_idx %arg11[%add3A_35, %broadcast_in_dim3A_197] : memref<512x32xf32, #tpu.memory_space<vmem>>[vector<16xi32>, vector<16xi32>], vector<16xf32>,
      %mul3A_200 = arith.mulf %gather3A_198, %gather3A_199 : vector<16xf32>
      %add3A_201 = arith.addf %add3A_195, %mul3A_200 : vector<16xf32>
      %broadcast_in_dim3A_202 = arith.constant 27 : i32
      %broadcast_in_dim3A_203 = vector.broadcast %broadcast_in_dim3A_202 : i32 to vector<16xi32>
      %gather3A_204 = tpu.vector_load_idx %arg10[%add3A_35, %broadcast_in_dim3A_203] : memref<512x32xf32, #tpu.memory_space<vmem>>[vector<16xi32>, vector<16xi32>], vector<16xf32>,
      %gather3A_205 = tpu.vector_load_idx %arg11[%add3A_35, %broadcast_in_dim3A_203] : memref<512x32xf32, #tpu.memory_space<vmem>>[vector<16xi32>, vector<16xi32>], vector<16xf32>,
      %mul3A_206 = arith.mulf %gather3A_204, %gather3A_205 : vector<16xf32>
      %add3A_207 = arith.addf %add3A_201, %mul3A_206 : vector<16xf32>
      %broadcast_in_dim3A_208 = arith.constant 28 : i32
      %broadcast_in_dim3A_209 = vector.broadcast %broadcast_in_dim3A_208 : i32 to vector<16xi32>
      %gather3A_210 = tpu.vector_load_idx %arg10[%add3A_35, %broadcast_in_dim3A_209] : memref<512x32xf32, #tpu.memory_space<vmem>>[vector<16xi32>, vector<16xi32>], vector<16xf32>,
      %gather3A_211 = tpu.vector_load_idx %arg11[%add3A_35, %broadcast_in_dim3A_209] : memref<512x32xf32, #tpu.memory_space<vmem>>[vector<16xi32>, vector<16xi32>], vector<16xf32>,
      %mul3A_212 = arith.mulf %gather3A_210, %gather3A_211 : vector<16xf32>
      %add3A_213 = arith.addf %add3A_207, %mul3A_212 : vector<16xf32>
      %broadcast_in_dim3A_214 = arith.constant 29 : i32
      %broadcast_in_dim3A_215 = vector.broadcast %broadcast_in_dim3A_214 : i32 to vector<16xi32>
      %gather3A_216 = tpu.vector_load_idx %arg10[%add3A_35, %broadcast_in_dim3A_215] : memref<512x32xf32, #tpu.memory_space<vmem>>[vector<16xi32>, vector<16xi32>], vector<16xf32>,
      %gather3A_217 = tpu.vector_load_idx %arg11[%add3A_35, %broadcast_in_dim3A_215] : memref<512x32xf32, #tpu.memory_space<vmem>>[vector<16xi32>, vector<16xi32>], vector<16xf32>,
      %mul3A_218 = arith.mulf %gather3A_216, %gather3A_217 : vector<16xf32>
      %add3A_219 = arith.addf %add3A_213, %mul3A_218 : vector<16xf32>
      %broadcast_in_dim3A_220 = arith.constant 30 : i32
      %broadcast_in_dim3A_221 = vector.broadcast %broadcast_in_dim3A_220 : i32 to vector<16xi32>
      %gather3A_222 = tpu.vector_load_idx %arg10[%add3A_35, %broadcast_in_dim3A_221] : memref<512x32xf32, #tpu.memory_space<vmem>>[vector<16xi32>, vector<16xi32>], vector<16xf32>,
      %gather3A_223 = tpu.vector_load_idx %arg11[%add3A_35, %broadcast_in_dim3A_221] : memref<512x32xf32, #tpu.memory_space<vmem>>[vector<16xi32>, vector<16xi32>], vector<16xf32>,
      %mul3A_224 = arith.mulf %gather3A_222, %gather3A_223 : vector<16xf32>
      %add3A_225 = arith.addf %add3A_219, %mul3A_224 : vector<16xf32>
      %broadcast_in_dim3A_226 = arith.constant 31 : i32
      %broadcast_in_dim3A_227 = vector.broadcast %broadcast_in_dim3A_226 : i32 to vector<16xi32>
      %gather3A_228 = tpu.vector_load_idx %arg10[%add3A_35, %broadcast_in_dim3A_227] : memref<512x32xf32, #tpu.memory_space<vmem>>[vector<16xi32>, vector<16xi32>], vector<16xf32>,
      %gather3A_229 = tpu.vector_load_idx %arg11[%add3A_35, %broadcast_in_dim3A_227] : memref<512x32xf32, #tpu.memory_space<vmem>>[vector<16xi32>, vector<16xi32>], vector<16xf32>,
      %mul3A_230 = arith.mulf %gather3A_228, %gather3A_229 : vector<16xf32>
      %add3A_231 = arith.addf %add3A_225, %mul3A_230 : vector<16xf32>
      tpu.vector_store_idx %arg14[%add3A_35], %add3A_231 : memref<512xf32, #tpu.memory_space<vmem>>[vector<16xi32>], vector<16xf32>,
    }
    %scan3A_30 = arith.constant 32 : i32
    "tpu.region"() ({
      %run_scoped3A_31 = tpu.sem_alloc : memref<!tpu.dma_semaphore, #tpu.memory_space<semaphore_mem>>
      %dma_start3A_32 = tpu.memref_slice %arg7[%mul3A_2] : memref<16384xf32, #tpu.memory_space<hbm>> -> memref<512xf32, #tpu.memory_space<hbm>>
      %dma_start3A_33 = tpu.memref_slice %arg7[%mul3A_2] : memref<16384xf32, #tpu.memory_space<hbm>> -> memref<512xf32, #tpu.memory_space<hbm>>
      tpu.enqueue_dma source(%arg14 : memref<512xf32, #tpu.memory_space<vmem>>) target(%dma_start3A_33 : memref<512xf32, #tpu.memory_space<hbm>>) target_semaphore(%run_scoped3A_31 : memref<!tpu.dma_semaphore, #tpu.memory_space<semaphore_mem>>)
      %dma_wait3A_34 = tpu.memref_slice %arg7[%mul3A_2] : memref<16384xf32, #tpu.memory_space<hbm>> -> memref<512xf32, #tpu.memory_space<hbm>>
      %dma_wait3A_35 = tpu.memref_slice %arg7[%mul3A_2] : memref<16384xf32, #tpu.memory_space<hbm>> -> memref<512xf32, #tpu.memory_space<hbm>>
      tpu.wait_dma2 semaphore(%run_scoped3A_31 : memref<!tpu.dma_semaphore, #tpu.memory_space<semaphore_mem>>) src(%arg14 : memref<512xf32, #tpu.memory_space<vmem>>) dst(%dma_wait3A_35 : memref<512xf32, #tpu.memory_space<hbm>>)
      tpu.yield
    }) : () -> ()
    return
  }
}

</mosaic_0001>

<sc_bundles>
// kernel: kernel.3.cloned.1.call-start
scs
__scs_entry_jumppad:
0x0: {  	(pc) =	sbr.rel $0x88, $3  }
0x1: {  	(tag) =	ssettag $0x0;
	lr =	simm.s32 $0x1  }
0x2: {  	[smem:$0x3F9C] =	sst lr;
	_ =	strace $0xD0000000  }
0x3: {  	_ = 	snop  }
0x4: {  	_ = 	snop  }
0x5: {  	_ = 	snop  }
0x6: {  	_ = 	snop  }
0x7: {  	_ = 	snop  }
__scs_overlays_trampoline_lowered:
0x8: {  	[smem:$0x3FAB] =	sst s0  }
0x9: {  	[smem:$0x3FAC] =	sst s1  }
0xa: {  	[smem:$0x3FAD] =	sst s2  }
0xb: {  	[smem:$0x3FAE] =	sst s3  }
0xc: {  	[smem:$0x3FAF] =	sst s4  }
0xd: {  	[smem:$0x3FB0] =	sst s5  }
0xe: {  	[smem:$0x3FB1] =	sst s6  }
0xf: {  	[smem:$0x3FB2] =	sst s7  }
0x10: {  	[smem:$0x3FB3] =	sst s8  }
0x11: {  	[smem:$0x3FB4] =	sst s9;
	s0 =	simm.s32 @!p0 $0x0  }
0x12: {  	s1 =	sld [smem:$0x3F9A];
	s0 =	simm.s32 @p0 $0x1  }
0x13: {  	[smem:$0x3FB5] =	sst s0;
	s0 =	simm.s32 @!p1 $0x0  }
0x14: {  	s2 =	sld [smem:$0x3F99];
	s0 =	simm.s32 @p1 $0x1  }
0x15: {  	[smem:$0x3FB6] =	sst s0;
	s0 =	simm.s32 @!p2 $0x0  }
0x16: {  	s3 =	sld [smem:$0x3FDB];
	s0 =	simm.s32 @p2 $0x1  }
0x17: {  	s4 =	simm.s32 $0x1BF5;
	[smem:$0x3FB8] =	sst s0  }
0x18: {  	s0 =	sld [smem:$0x3F9B];
	_ =	swait.ge [sflag:s4], $0x0  }
0x19: {  	s7 =	sld [smem:$0x3F9C]  }
0x1a: {  	s8 =	sadd.s32 $0xFFFFE003, lr  }
0x1b: {  	s9 =	sadd.s32 $0xFFFFFEF7, lr;
	s5 =	simm.s32 $0xFFFFFFFF;
	p2 =	slt.u32 s8, $0xFFFFF086  }
0x1c: {  	p1 =	slt.u32 s9, $0xF7A;
	s5 =	simm.s32 @!p2 $0x0  }
0x1d: {  	s5 =	simm.s32 @p1 $0x1;
	p0 =	seq.s32 s7, s2  }
0x1e: {  	s7 =	smul.u32 @!p0 $0xF7A, s2;
	p2 =	seq.s32 @!p0 s5, $0x0  }
0x1f: {  	s9 =	smul.u32 $0xF7A, s1;
	s8 =	simm.s32 @!p0 $0x1BF5;
	p2 =	por !p2, p0  }
0x20: {  	[sflag:s8] =	ssyncset.s32 @!p0 $0xFFFFF086;
	s6 =	sadd.s32 @!p0 s3, s7;
	s7 =	simm.s32 @!p0 $0x108  }
0x21: {  	s3 =	sadd.s32 s3, s9;
	s6 =	sadd.s32 @!p0 $0x88, s6;
	s7 =	simm.s32 @p2 $0x1082  }
0x22: {  	[simem:s7], [sflag:s8] =	dma.local @!p0 [hbm:s6], $0xF7A  }
0x23: {  	s9 =	sor.u32 $0xD0000000, s2;
	s6 =	simm.s32 $0x108;
	_ =	swait.ge @!p0 [sflag:s8], $0x0  }
0x24: {  	s3 =	sadd.s32 $0x88, s3;
	s6 =	simm.s32 @!p1 $0x1082;
	[sflag:s4] =	ssyncset.s32 $0xFFFFF086  }
0x25: {  	[simem:s6], [sflag:s4] =	dma.local [hbm:s3], $0xF7A  }
0x26: {  	[smem:$0x3F9C] =	sst s1;
	(tag) =	ssettag s2;
	_ =	strace s9  }
0x27: {  	s1 =	sld [smem:$0x3FAC]  }
0x28: {  	s2 =	sld [smem:$0x3FAD]  }
0x29: {  	s4 =	sld [smem:$0x3FAF]  }
0x2a: {  	p0 =	seq.s32 s5, $0x0;
	s5 =	sld [smem:$0x3FB0]  }
0x2b: {  	s6 =	sld [smem:$0x3FB1]  }
0x2c: {  	s7 =	sld [smem:$0x3FB2]  }
0x2d: {  	s3 =	simm.s32 $0x108;
	s8 =	sld [smem:$0x3FB3]  }
0x2e: {  	s3 =	simm.s32 @!p0 $0x1082;
	s9 =	sld [smem:$0x3FB4]  }
0x2f: {  	lr =	sadd.s32 s0, s3;
	s0 =	sld [smem:$0x3FAB]  }
0x30: {  	s3 =	sld [smem:$0x3FAE]  }
0x31: {  	[smem:$0x3FB7] =	sst s10  }
0x32: {  	s10 =	sld [smem:$0x3FB5];
	_ =	sdelay $0x3  }
0x33: {  	p0 =	seq.s32 s10, $0x1;
	s10 =	sld [smem:$0x3FB7];
	_ =	sdelay $0x3  }
0x34: {  	[smem:$0x3FB7] =	sst s10  }
0x35: {  	s10 =	sld [smem:$0x3FB6];
	_ =	sdelay $0x3  }
0x36: {  	p1 =	seq.s32 s10, $0x1;
	s10 =	sld [smem:$0x3FB7];
	_ =	sdelay $0x3  }
0x37: {  	[smem:$0x3FB7] =	sst s10  }
0x38: {  	s10 =	sld [smem:$0x3FB8]  }
0x39: {  	_ = 	snop;
	(pc) =	sbr.ind lr, $3  }
0x3a: {  	_ = 	snop  }
0x3b: {  	_ = 	snop  }
0x3c: {  	p2 =	seq.s32 s10, $0x1;
	s10 =	sld [smem:$0x3FB7]  }
0x3d: {  	_ =	shalt  }
0x3e: {  	_ =	shalt  }
0x3f: {  	_ =	shalt  }
0x40: {  	_ =	shalt  }
0x41: {  	_ =	shalt  }
0x42: {  	_ =	shalt  }
0x43: {  	_ =	shalt  }
0x44: {  	_ =	shalt  }
0x45: {  	_ =	shalt  }
0x46: {  	_ =	shalt  }
0x47: {  	_ =	shalt  }
0x48: {  	_ =	shalt  }
0x49: {  	_ =	shalt  }
0x4a: {  	_ =	shalt  }
0x4b: {  	_ =	shalt  }
0x4c: {  	_ =	shalt  }
0x4d: {  	_ =	shalt  }
0x4e: {  	_ =	shalt  }
0x4f: {  	_ =	shalt  }
0x50: {  	_ =	shalt  }
0x51: {  	_ =	shalt  }
0x52: {  	_ =	shalt  }
0x53: {  	_ =	shalt  }
0x54: {  	_ =	shalt  }
0x55: {  	_ =	shalt  }
0x56: {  	_ =	shalt  }
0x57: {  	_ =	shalt  }
0x58: {  	_ =	shalt  }
0x59: {  	_ =	shalt  }
0x5a: {  	_ =	shalt  }
0x5b: {  	_ =	shalt  }
0x5c: {  	_ =	shalt  }
0x5d: {  	_ =	shalt  }
0x5e: {  	_ =	shalt  }
0x5f: {  	_ =	shalt  }
0x60: {  	_ =	shalt  }
0x61: {  	_ =	shalt  }
0x62: {  	_ =	shalt  }
0x63: {  	_ =	shalt  }
0x64: {  	_ =	shalt  }
0x65: {  	_ =	shalt  }
0x66: {  	_ =	shalt  }
0x67: {  	_ =	shalt  }
0x68: {  	_ =	shalt  }
0x69: {  	_ =	shalt  }
0x6a: {  	_ =	shalt  }
0x6b: {  	_ =	shalt  }
0x6c: {  	_ =	shalt  }
0x6d: {  	_ =	shalt  }
0x6e: {  	_ =	shalt  }
0x6f: {  	_ =	shalt  }
0x70: {  	_ =	shalt  }
0x71: {  	_ =	shalt  }
0x72: {  	_ =	shalt  }
0x73: {  	_ =	shalt  }
0x74: {  	_ =	shalt  }
0x75: {  	_ =	shalt  }
0x76: {  	_ =	shalt  }
0x77: {  	_ =	shalt  }
0x78: {  	_ =	shalt  }
0x79: {  	_ =	shalt  }
0x7a: {  	_ =	shalt  }
0x7b: {  	_ =	shalt  }
0x7c: {  	_ =	shalt  }
0x7d: {  	_ =	shalt  }
0x7e: {  	_ =	shalt  }
0x7f: {  	_ =	shalt  }
0x80: {  	_ =	shalt  }
0x81: {  	_ =	shalt  }
0x82: {  	_ =	shalt  }
0x83: {  	_ =	shalt  }
0x84: {  	_ =	shalt  }
0x85: {  	_ =	shalt  }
0x86: {  	_ =	shalt  }
0x87: {  	_ =	shalt  }
.Lfunc_end0:
.L_simem_size_0:
called_computation_lowered:
.L_overlay_start_0:
0x88: {  	s2 =	sld [smem:$0x3FD9]  }
0x89: {  	s3 =	sld [smem:$0x3FFE];
	_ =	sdelay $0x1  }
0x8a: {  	s1 =	srdreg.scid  }
0x8b: {  	s0 =	sand.u32 $0x1, s1  }
0x8c: {  	s17 =	sshll.u32 s0, $0xA;
	s2 =	sadd.s32 s3, s2  }
0x8d: {  	s2 =	sadd.s32 s2, s17  }
0x8e: {  	[smem:$0x3FC3] =	sst s2  }
0x8f: {  	_ = 	snop  }
0x90: {  	s2 =	sld [smem:$0x3FD0];
	(tm) =	ssettm $0x1  }
0x91: {  	s18 =	sld [smem:$0x3FFB];
	_ =	sdelay $0x3  }
0x92: {  	_ =	strace s18  }
0x93: {  	s3 =	sld [smem:$0x3FFC];
	_ =	sdelay $0x3  }
0x94: {  	_ =	strace s3  }
0x95: {  	s3 =	sld [smem:$0x3FFD];
	_ =	sdelay $0x3  }
0x96: {  	_ =	strace s3  }
0x97: {  	_ =	strace $0x8FFFFFFF  }
0x98: {  	s19 =	sld [smem:$0x3FDB];
	_ =	sdelay $0x1  }
0x99: {  	s4 =	simm.s32 $_scs_section_size  }
0x9a: {  	s5 =	simm.s32 $_size__tile_overlayer_lowered;
	s6 =	simm.s32 $_tile_overlayer_lowered  }
0x9b: {  	s22 =	simm.s32 $0x1BFF;
	s21 =	sshll.u32 s6, $0x1;
	s3 =	sadd.s32 s4, s19  }
0x9c: {  	s7 =	simm.s32 $0x0;
	s20 =	sshll.u32 s5, $0x1;
	s5 =	sadd.s32 s21, s3  }
0x9d: {  	[timem:s7], [sflag:s22] =	dma.local [hbm:s5], s20  }
0x9e: {  	_ =	swait.ge [sflag:s22], s20  }
0x9f: {  	s4 =	ssub.s32 $0x0, s20;
	[sflag:s22] =	ssyncset.done $0x0  }
0xa0: {  	[sflag:s22] =	ssyncadd.s32 s4;
	_ =	sdelay $0x1  }
0xa1: {  	s23 =	simm.s32 $0x1B8B  }
0xa2: {  	_ =	swait.ge [sflag:s23], $0x1  }
0xa3: {  	[sflag:s23] =	ssyncset.done $0x0  }
0xa4: {  	s25 =	simm.s32 $0x1B8E;
	s24 =	sld [smem:$0x3FFE];
	[sflag:s23] =	ssyncadd.s32 $0xFFFFFFFF  }
0xa5: {  	s26 =	simm.s32 $execute0_lowered;
	[smem:$0x3FD2] =	sst s25  }
0xa6: {  	s5 =	sshll.u32 s26, $0x1;
	_ =	strace $0x80000046;
	[dreg:$0x1] =	wrdreg $0xFFFFFFFF  }
0xa7: {  	s28 =	simm.s32 $_size_execute0_lowered;
	s3 =	sadd.s32 s3, s5;
	[dreg:$0x0] =	wrdreg $0x0  }
0xa8: {  	s5 =	sshll.u32 s28, $0x1;
	[dreg:$0x2] =	wrdreg s3  }
0xa9: {  	[dreg:$0x3] =	wrdreg s5  }
0xaa: {  	[dreg:$0x4] =	wrdreg $0xC0  }
0xab: {  	_ =	task [dreg:s7], $0x5FFFF  }
0xac: {  	[dreg:$0x1] =	wrdreg $0xFFFFFFFF  }
0xad: {  	[dreg:$0x0] =	wrdreg $0x60  }
0xae: {  	[dreg:$0x2] =	wrdreg s24  }
0xaf: {  	[dreg:$0x3] =	wrdreg s2  }
0xb0: {  	[dreg:$0x4] =	wrdreg $0x9  }
0xb1: {  	_ =	task.clear_ibuf [dreg:s7], $0x5FFFF;
	_ =	strace $0x90000046  }
0xb2: {  	s29 =	simm.s32 $0x9;
	_ =	strace $0x80000048  }
0xb3: {  	_ =	swait.ge [sflag:s29], $0x1  }
0xb4: {  	[sflag:s29] =	ssyncadd.s32 $0xFFFFFFFF  }
0xb5: {  	_ =	strace $0x90000048  }
0xb6: {  	_ =	sfence  }
0xb7: {  	s30 =	sld [smem:$0x0];
	_ =	sdelay $0x2  }
0xb8: {  	s31 =	sshll.u32 s1, $0xD;
	s1 =	sshrl.u32 s1, $0x2  }
0xb9: {  	s3 =	sand.u32 $0x4000, s31;
	s1 =	sadd.s32 s1, s30  }
0xba: {  	s0 =	sor.u32 s3, s0;
	s1 =	sshll.u32 s1, $0x11  }
0xbb: {  	s0 =	sor.u32 s1, s0  }
0xbc: {  	s0 =	sadd.s32 $0x8F2B, s0  }
0xbd: {  	[sflag:s0] =	ssyncadd.remote.s32 $0x1  }
0xbe: {  	_ =	sfence.sel $0xFFFF  }
0xbf: {  	[dreg:$0x0] =	wrdreg $0xFFFFFFFF;
	(pc) =	sbr.abs _section_cstart, $3  }
0xc0: {  	[dreg:$0x1] =	wrdreg $0xFFFFFFFF  }
0xc1: {  	_ =	task.clear_ibuf [dreg:s7], $0x2FFFF;
	_ =	strace $0x9FFFFFFF  }
0xc2: {  	(tm) =	ssettm $0x7FFFFFFF  }
0xc3: {  	_ =	shalt  }
tec
execute0_lowered:
.L_overlay_start_1:
0x0: {  	(tag) =	ssettag $0x1  }
0x1: {  	s2 =	rddreg [dreg:$0x0]  }
0x2: {  	s9 =	rddreg [dreg:$0x1];
	s3 =	srdreg.scid  }
0x3: {  	s0 =	rddreg [dreg:$0x2];
	s1 =	stileid.u32  }
0x4: {  	s12 =	simm.s32 $0x200;
	s13 =	simm.s32 $0x400;
	s14 =	simm.s32 $0x4400  }
0x5: {  	s15 =	simm.s32 $0x8400;
	s16 =	simm.s32 $0x8600;
	s17 =	simm.s32 $0x1  }
0x6: {  	s18 =	simm.s32 $0x8800;
	s19 =	simm.s32 $0x0;
	s4 =	sand.u32 $0x1, s3  }
0x7: {  	s3 =	simm.s32 $0x0;
	s5 =	sshll.u32 s1, $0x7;
	s6 =	sshll.u32 s4, $0x6  }
0x8: {  	[smem:$0x7FF] =	sst s3;
	s7 =	ssub.s32 $0x2, s4;
	s4 =	sadd.s32 $0x1312E00, s2  }
0x9: {  	s10 =	sor.u32 s6, s5;
	_ =	strace $0x80000047;
	s5 =	sadd.s32 $0xF42400, s2  }
0xa: {  	s11 =	sshrl.u32 s7, $0x1;
	s6 =	sadd.s32 $0x1EA00, s2;
	s8 =	sadd.s32 s10, s2  }
0xb: {  	v0 =	vlaneseq.u32;
	s11 =	ssub.s32 s7, s11;
	s9 =	sadd.s32 s9, s10;
	s7 =	sadd.s32 $0x3D400, s8  }
0xc: {  	v1 =	vor.u32 $0xFFFFFFF8, v0;
	s8 =	sadd.s32 $0x3DC00, s8;
	s10 =	smax.u32 s11, $0x1;
	s11 =	simm.s32 $0x2  }
.LBB2_1:
0xd: {  	[tilespmem:s3], [sflag:$0x2] =	stream.linear.gather [hbm4b:s7+s3], $0x200, $0x38;
	[tilespmem:$0x8A00] =	vst v63  }
0xe: {  	_ =	swait.ge [sflag:s11], $0x200  }
0xf: {  	[sflag:s11] =	ssyncset.done $0x0  }
0x10: {  	[sflag:s11] =	ssyncadd.s32 $0xFFFFFE00  }
0x11: {  	[tilespmem:s12], [sflag:$0x2] =	stream.linear.gather [hbm4b:s8+s3], $0x200, $0x38;
	[tilespmem:$0x8A00] =	vst v63  }
0x12: {  	_ =	swait.ge [sflag:s11], $0x200  }
0x13: {  	[sflag:s11] =	ssyncset.done $0x0  }
0x14: {  	s20 =	simm.s32 $0x0;
	[sflag:s11] =	ssyncadd.s32 $0xFFFFFE00  }
0x15: {  	s21 =	simm.s32 $0x40;
	v2 =	vld [tilespmem:s20+$0x0]  }
.LBB2_2:
0x16: {  	p0 =	sne.s32 s21, $0x7C0;
	v3 =	vld [tilespmem:s20+$0x200];
	_ =	sdelay $0x3  }
.Ltmp0:
0x17: {  	v4 =	vadd.s32 $0xFFFFFFFF, v2;
	(pc) =	sbr.rel @p0 .LBB2_2-.Ltmp0, $4  }
0x18: {  	v2 =	vadd.s32 $0xF423F, v2;
	vm0 =	vlt.s32 v4, $0x0;
	v5 =	vadd.s32 $0xFFFFFFFF, v3  }
0x19: {  	v3 =	vadd.s32 $0xF423F, v3;
	v2 =	vsel vm0, v2, v4;
	vm0 =	vlt.s32 v5, $0x0  }
0x1a: {  	s22 =	sshra.s32 s21, $0x2;
	[tilespmem:s20+$0x0] =	vst v2;
	v3 =	vsel vm0, v3, v5  }
0x1b: {  	s21 =	sadd.s32 $0x40, s21;
	v2 =	vld [tilespmem:s22+$0x0];
	[tilespmem:s20+$0x200] =	vst v3;
	s20 =	smov.u32 s22  }
0x1c: {  	v3 =	vld [tilespmem:s20+$0x200];
	_ =	sdelay $0x3  }
0x1d: {  	v4 =	vadd.s32 $0xFFFFFFFF, v2  }
0x1e: {  	v2 =	vadd.s32 $0xF423F, v2;
	vm0 =	vlt.s32 v4, $0x0;
	v5 =	vadd.s32 $0xFFFFFFFF, v3  }
0x1f: {  	v3 =	vadd.s32 $0xF423F, v3;
	v2 =	vsel vm0, v2, v4;
	vm15 =	vlt.s32 v5, $0x0  }
0x20: {  	[tilespmem:s20+$0x0] =	vst v2;
	v2 =	vsel vm15, v3, v5  }
0x21: {  	s30 =	simm.s32 $0x0;
	[tilespmem:s20+$0x200] =	vst v2  }
0x22: {  	[tilespmem:s13], [sflag:$0x1] =	stream.indirect.gather [hbm4b:s4+s12], $0x20, s30, s12, $0xb8;
	[tilespmem:$0x8A00] =	vst v63  }
0x23: {  	_ = 	snop  }
0x24: {  	[tilespmem:s14], [sflag:$0x1] =	stream.indirect.gather [hbm4b:s5+s12], $0x20, s12, s12, $0xb8;
	[tilespmem:$0x8A00] =	vst v63  }
0x25: {  	_ = 	snop  }
0x26: {  	[tilespmem:s15], [sflag:$0x1] =	stream.indirect.gather [hbm4b:s6+s12], $0x1, s30, s12, $0xb8;
	[tilespmem:$0x8A00] =	vst v63  }
0x27: {  	_ = 	snop  }
0x28: {  	[tilespmem:s16], [sflag:$0x1] =	stream.indirect.gather [hbm4b:s2+s12], $0x1, s12, s12, $0xb8;
	[tilespmem:$0x8A00] =	vst v63  }
0x29: {  	_ =	swait.ge [sflag:s17], $0x4000  }
0x2a: {  	[sflag:s17] =	ssyncset.done $0x0  }
0x2b: {  	[sflag:s17] =	ssyncadd.s32 $0xFFFFC000  }
0x2c: {  	_ =	swait.ge [sflag:s17], $0x4000  }
0x2d: {  	[sflag:s17] =	ssyncset.done $0x0  }
0x2e: {  	[sflag:s17] =	ssyncadd.s32 $0xFFFFC000  }
0x2f: {  	v3 =	vor.u32 s30, v0;
	_ =	swait.ge [sflag:s17], $0x200  }
0x30: {  	v2 =	vand.u32 v1, v3;
	[sflag:s17] =	ssyncset.done $0x0  }
0x31: {  	[sflag:s17] =	ssyncadd.s32 $0xFFFFFE00  }
0x32: {  	v3 =	vshll.u32 v3, $0x5;
	_ =	swait.ge [sflag:s17], $0x200  }
0x33: {  	[sflag:s17] =	ssyncset.done $0x0  }
0x34: {  	v4 =	vor.u32 $0x1, v3;
	[sflag:s17] =	ssyncadd.s32 $0xFFFFFE00  }
0x35: {  	v5 =	vld.idx.msk [tilespmem:v2+s16+$0x0], $0xffff  }
0x36: {  	v7 =	vor.u32 $0x2, v3;
	v6 =	vld.idx.msk [tilespmem:v2+s15+$0x0], $0xffff  }
0x37: {  	v8 =	vld.idx.msk [tilespmem:v3+s13+$0x0], $0xffff  }
0x38: {  	v10 =	vor.u32 $0x3, v3;
	v9 =	vld.idx.msk [tilespmem:v3+s14+$0x0], $0xffff  }
0x39: {  	v11 =	vld.idx.msk [tilespmem:v4+s13+$0x0], $0xffff  }
0x3a: {  	v12 =	vor.u32 $0x4, v3;
	v4 =	vld.idx.msk [tilespmem:v4+s14+$0x0], $0xffff  }
0x3b: {  	v13 =	vld.idx.msk [tilespmem:v7+s13+$0x0], $0xffff;
	v5 =	vadd.f32 v5, v6  }
0x3c: {  	v6 =	vld.idx.msk [tilespmem:v7+s14+$0x0], $0xffff;
	v7 =	vor.u32 $0x5, v3  }
0x3d: {  	v14 =	vld.idx.msk [tilespmem:v10+s13+$0x0], $0xffff;
	v8 =	vmul.f32 v9, v8;
	v5 =	vadd.f32 $3.500000000e+00, v5  }
0x3e: {  	v58 =	vor.u32 $0x6, v3;
	v57 =	vld.idx.msk [tilespmem:v10+s14+$0x0], $0xffff  }
0x3f: {  	v15 =	vld.idx.msk [tilespmem:v12+s13+$0x0], $0xffff;
	v4 =	vmul.f32 v4, v11;
	v5 =	vadd.f32 v8, v5  }
0x40: {  	v59 =	vor.u32 $0x7, v3;
	v8 =	vld.idx.msk [tilespmem:v12+s14+$0x0], $0xffff  }
0x41: {  	v60 =	vld.idx.msk [tilespmem:v7+s13+$0x0], $0xffff;
	v4 =	vadd.f32 v4, v5;
	v5 =	vmul.f32 v6, v13  }
0x42: {  	v6 =	vld.idx.msk [tilespmem:v7+s14+$0x0], $0xffff;
	v7 =	vor.u32 $0x8, v3  }
0x43: {  	v61 =	vld.idx.msk [tilespmem:v58+s13+$0x0], $0xffff;
	v4 =	vadd.f32 v5, v4;
	v5 =	vmul.f32 v57, v14  }
0x44: {  	v63 =	vor.u32 $0x9, v3;
	v62 =	vld.idx.msk [tilespmem:v58+s14+$0x0], $0xffff  }
0x45: {  	v18 =	vld.idx.msk [tilespmem:v59+s13+$0x0], $0xffff;
	v4 =	vadd.f32 v5, v4;
	v5 =	vmul.f32 v8, v15  }
0x46: {  	v19 =	vor.u32 $0xA, v3;
	v8 =	vld.idx.msk [tilespmem:v59+s14+$0x0], $0xffff  }
0x47: {  	v20 =	vld.idx.msk [tilespmem:v7+s13+$0x0], $0xffff;
	v4 =	vadd.f32 v5, v4;
	v5 =	vmul.f32 v6, v60  }
0x48: {  	v6 =	vld.idx.msk [tilespmem:v7+s14+$0x0], $0xffff;
	v7 =	vor.u32 $0xB, v3  }
0x49: {  	v21 =	vld.idx.msk [tilespmem:v63+s13+$0x0], $0xffff;
	v4 =	vadd.f32 v5, v4;
	v5 =	vmul.f32 v62, v61  }
0x4a: {  	v23 =	vor.u32 $0xC, v3;
	v22 =	vld.idx.msk [tilespmem:v63+s14+$0x0], $0xffff  }
0x4b: {  	v24 =	vld.idx.msk [tilespmem:v19+s13+$0x0], $0xffff;
	v4 =	vadd.f32 v5, v4;
	v5 =	vmul.f32 v8, v18  }
0x4c: {  	v25 =	vor.u32 $0xD, v3;
	v8 =	vld.idx.msk [tilespmem:v19+s14+$0x0], $0xffff  }
0x4d: {  	v26 =	vld.idx.msk [tilespmem:v7+s13+$0x0], $0xffff;
	v4 =	vadd.f32 v5, v4;
	v5 =	vmul.f32 v6, v20  }
0x4e: {  	v6 =	vld.idx.msk [tilespmem:v7+s14+$0x0], $0xffff;
	v7 =	vor.u32 $0xE, v3  }
0x4f: {  	v27 =	vld.idx.msk [tilespmem:v23+s13+$0x0], $0xffff;
	v4 =	vadd.f32 v5, v4;
	v5 =	vmul.f32 v22, v21  }
0x50: {  	v29 =	vor.u32 $0xF, v3;
	v28 =	vld.idx.msk [tilespmem:v23+s14+$0x0], $0xffff  }
0x51: {  	v30 =	vld.idx.msk [tilespmem:v25+s13+$0x0], $0xffff;
	v4 =	vadd.f32 v5, v4;
	v5 =	vmul.f32 v8, v24  }
0x52: {  	v31 =	vor.u32 $0x10, v3;
	v8 =	vld.idx.msk [tilespmem:v25+s14+$0x0], $0xffff  }
0x53: {  	v32 =	vld.idx.msk [tilespmem:v7+s13+$0x0], $0xffff;
	v4 =	vadd.f32 v5, v4;
	v5 =	vmul.f32 v6, v26  }
0x54: {  	v6 =	vld.idx.msk [tilespmem:v7+s14+$0x0], $0xffff;
	v7 =	vor.u32 $0x11, v3  }
0x55: {  	v33 =	vld.idx.msk [tilespmem:v29+s13+$0x0], $0xffff;
	v4 =	vadd.f32 v5, v4;
	v5 =	vmul.f32 v28, v27  }
0x56: {  	v35 =	vor.u32 $0x12, v3;
	v34 =	vld.idx.msk [tilespmem:v29+s14+$0x0], $0xffff  }
0x57: {  	v36 =	vld.idx.msk [tilespmem:v31+s13+$0x0], $0xffff;
	v4 =	vadd.f32 v5, v4;
	v5 =	vmul.f32 v8, v30  }
0x58: {  	v37 =	vor.u32 $0x13, v3;
	v8 =	vld.idx.msk [tilespmem:v31+s14+$0x0], $0xffff  }
0x59: {  	v38 =	vld.idx.msk [tilespmem:v7+s13+$0x0], $0xffff;
	v4 =	vadd.f32 v5, v4;
	v5 =	vmul.f32 v6, v32  }
0x5a: {  	v6 =	vld.idx.msk [tilespmem:v7+s14+$0x0], $0xffff;
	v7 =	vor.u32 $0x14, v3  }
0x5b: {  	v39 =	vld.idx.msk [tilespmem:v35+s13+$0x0], $0xffff;
	v4 =	vadd.f32 v5, v4;
	v5 =	vmul.f32 v34, v33  }
0x5c: {  	v41 =	vor.u32 $0x15, v3;
	v40 =	vld.idx.msk [tilespmem:v35+s14+$0x0], $0xffff  }
0x5d: {  	v42 =	vld.idx.msk [tilespmem:v37+s13+$0x0], $0xffff;
	v4 =	vadd.f32 v5, v4;
	v5 =	vmul.f32 v8, v36  }
0x5e: {  	v43 =	vor.u32 $0x16, v3;
	v8 =	vld.idx.msk [tilespmem:v37+s14+$0x0], $0xffff  }
0x5f: {  	v44 =	vld.idx.msk [tilespmem:v7+s13+$0x0], $0xffff;
	v4 =	vadd.f32 v5, v4;
	v5 =	vmul.f32 v6, v38  }
0x60: {  	v6 =	vld.idx.msk [tilespmem:v7+s14+$0x0], $0xffff;
	v7 =	vor.u32 $0x17, v3  }
0x61: {  	v45 =	vld.idx.msk [tilespmem:v41+s13+$0x0], $0xffff;
	v4 =	vadd.f32 v5, v4;
	v5 =	vmul.f32 v40, v39  }
0x62: {  	v47 =	vor.u32 $0x18, v3;
	v46 =	vld.idx.msk [tilespmem:v41+s14+$0x0], $0xffff  }
0x63: {  	v48 =	vld.idx.msk [tilespmem:v43+s13+$0x0], $0xffff;
	v4 =	vadd.f32 v5, v4;
	v5 =	vmul.f32 v8, v42  }
0x64: {  	v49 =	vor.u32 $0x19, v3;
	v8 =	vld.idx.msk [tilespmem:v43+s14+$0x0], $0xffff  }
0x65: {  	v50 =	vld.idx.msk [tilespmem:v7+s13+$0x0], $0xffff;
	v4 =	vadd.f32 v5, v4;
	v5 =	vmul.f32 v6, v44  }
0x66: {  	v6 =	vld.idx.msk [tilespmem:v7+s14+$0x0], $0xffff;
	v7 =	vor.u32 $0x1A, v3  }
0x67: {  	v51 =	vld.idx.msk [tilespmem:v47+s13+$0x0], $0xffff;
	v4 =	vadd.f32 v5, v4;
	v5 =	vmul.f32 v46, v45  }
0x68: {  	v53 =	vor.u32 $0x1B, v3;
	v52 =	vld.idx.msk [tilespmem:v47+s14+$0x0], $0xffff  }
0x69: {  	v54 =	vld.idx.msk [tilespmem:v49+s13+$0x0], $0xffff;
	v4 =	vadd.f32 v5, v4;
	v5 =	vmul.f32 v8, v48  }
0x6a: {  	v55 =	vor.u32 $0x1C, v3;
	v8 =	vld.idx.msk [tilespmem:v49+s14+$0x0], $0xffff  }
0x6b: {  	v56 =	vld.idx.msk [tilespmem:v7+s13+$0x0], $0xffff;
	v4 =	vadd.f32 v5, v4;
	v5 =	vmul.f32 v6, v50  }
0x6c: {  	v6 =	vld.idx.msk [tilespmem:v7+s14+$0x0], $0xffff;
	v7 =	vor.u32 $0x1D, v3  }
0x6d: {  	v58 =	vld.idx.msk [tilespmem:v53+s14+$0x0], $0xffff;
	v4 =	vadd.f32 v5, v4;
	v5 =	vmul.f32 v52, v51  }
0x6e: {  	v57 =	vld.idx.msk [tilespmem:v53+s13+$0x0], $0xffff;
	v59 =	vor.u32 $0x1E, v3  }
0x6f: {  	v60 =	vld.idx.msk [tilespmem:v55+s13+$0x0], $0xffff;
	v4 =	vadd.f32 v5, v4;
	v5 =	vmul.f32 v8, v54  }
0x70: {  	v3 =	vor.u32 $0x1F, v3;
	v8 =	vld.idx.msk [tilespmem:v55+s14+$0x0], $0xffff  }
0x71: {  	v61 =	vld.idx.msk [tilespmem:v7+s13+$0x0], $0xffff;
	v4 =	vadd.f32 v5, v4;
	v5 =	vmul.f32 v6, v56  }
0x72: {  	v6 =	vld.idx.msk [tilespmem:v7+s14+$0x0], $0xffff  }
0x73: {  	v62 =	vld.idx.msk [tilespmem:v59+s14+$0x0], $0xffff;
	v4 =	vadd.f32 v5, v4;
	v5 =	vmul.f32 v58, v57  }
0x74: {  	v7 =	vld.idx.msk [tilespmem:v59+s13+$0x0], $0xffff  }
0x75: {  	v63 =	vld.idx.msk [tilespmem:v3+s13+$0x0], $0xffff;
	v4 =	vadd.f32 v5, v4;
	v5 =	vmul.f32 v8, v60  }
0x76: {  	v8 =	vld.idx.msk [tilespmem:v3+s14+$0x0], $0xffff  }
0x77: {  	v3 =	vadd.f32 v5, v4;
	v4 =	vmul.f32 v6, v61;
	_ =	sdelay $0x1  }
0x78: {  	s31 =	simm.s32 $0x10;
	v6 =	vmul.f32 v62, v7;
	v5 =	vadd.f32 v4, v3  }
0x79: {  	v3 =	vor.u32 s31, v0  }
0x7a: {  	s20 =	simm.s32 $0x20;
	v4 =	vand.u32 v1, v3;
	v5 =	vadd.f32 v6, v5;
	v6 =	vmul.f32 v8, v63  }
.LBB2_4:
0x7b: {  	p0 =	sne.s32 s20, $0x1F0  }
0x7c: {  	v3 =	vshll.u32 v3, $0x5;
	v5 =	vadd.f32 v6, v5;
	_ =	sdelay $0x1  }
0x7d: {  	v6 =	vor.u32 $0x1, v3;
	[tilespmem:v2+s18+$0x0] =	vst.idx.msk $0xffff, v5;
	v2 =	vmov v4  }
0x7e: {  	v5 =	vld.idx.msk [tilespmem:v4+s16+$0x0], $0xffff  }
0x7f: {  	v7 =	vor.u32 $0x2, v3;
	v4 =	vld.idx.msk [tilespmem:v4+s15+$0x0], $0xffff  }
0x80: {  	v8 =	vld.idx.msk [tilespmem:v3+s13+$0x0], $0xffff  }
0x81: {  	v10 =	vor.u32 $0x3, v3;
	v9 =	vld.idx.msk [tilespmem:v3+s14+$0x0], $0xffff  }
0x82: {  	v11 =	vld.idx.msk [tilespmem:v6+s13+$0x0], $0xffff  }
0x83: {  	v12 =	vor.u32 $0x4, v3;
	v6 =	vld.idx.msk [tilespmem:v6+s14+$0x0], $0xffff  }
0x84: {  	v13 =	vld.idx.msk [tilespmem:v7+s13+$0x0], $0xffff  }
0x85: {  	v4 =	vadd.f32 v5, v4;
	v5 =	vld.idx.msk [tilespmem:v7+s14+$0x0], $0xffff;
	v7 =	vor.u32 $0x5, v3  }
0x86: {  	v14 =	vld.idx.msk [tilespmem:v10+s13+$0x0], $0xffff  }
0x87: {  	v4 =	vadd.f32 $3.500000000e+00, v4;
	v8 =	vmul.f32 v9, v8;
	v9 =	vld.idx.msk [tilespmem:v10+s14+$0x0], $0xffff;
	v10 =	vor.u32 $0x6, v3  }
0x88: {  	v15 =	vld.idx.msk [tilespmem:v12+s13+$0x0], $0xffff  }
0x89: {  	v4 =	vadd.f32 v8, v4;
	v6 =	vmul.f32 v6, v11;
	v11 =	vor.u32 $0x7, v3;
	v8 =	vld.idx.msk [tilespmem:v12+s14+$0x0], $0xffff  }
0x8a: {  	v12 =	vld.idx.msk [tilespmem:v7+s13+$0x0], $0xffff  }
0x8b: {  	v4 =	vadd.f32 v6, v4;
	v5 =	vmul.f32 v5, v13;
	v6 =	vld.idx.msk [tilespmem:v7+s14+$0x0], $0xffff;
	v7 =	vor.u32 $0x8, v3  }
0x8c: {  	v13 =	vld.idx.msk [tilespmem:v10+s13+$0x0], $0xffff  }
0x8d: {  	v4 =	vadd.f32 v5, v4;
	v5 =	vmul.f32 v9, v14;
	v9 =	vld.idx.msk [tilespmem:v10+s14+$0x0], $0xffff;
	v10 =	vor.u32 $0x9, v3  }
0x8e: {  	v14 =	vld.idx.msk [tilespmem:v11+s13+$0x0], $0xffff  }
0x8f: {  	v4 =	vadd.f32 v5, v4;
	v5 =	vmul.f32 v8, v15;
	v8 =	vld.idx.msk [tilespmem:v11+s14+$0x0], $0xffff;
	v11 =	vor.u32 $0xA, v3  }
0x90: {  	v15 =	vld.idx.msk [tilespmem:v7+s13+$0x0], $0xffff  }
0x91: {  	v4 =	vadd.f32 v5, v4;
	v5 =	vmul.f32 v6, v12;
	v6 =	vld.idx.msk [tilespmem:v7+s14+$0x0], $0xffff;
	v7 =	vor.u32 $0xB, v3  }
0x92: {  	v12 =	vld.idx.msk [tilespmem:v10+s13+$0x0], $0xffff  }
0x93: {  	v4 =	vadd.f32 v5, v4;
	v5 =	vmul.f32 v9, v13;
	v9 =	vld.idx.msk [tilespmem:v10+s14+$0x0], $0xffff;
	v10 =	vor.u32 $0xC, v3  }
0x94: {  	v13 =	vld.idx.msk [tilespmem:v11+s13+$0x0], $0xffff  }
0x95: {  	v4 =	vadd.f32 v5, v4;
	v5 =	vmul.f32 v8, v14;
	v8 =	vld.idx.msk [tilespmem:v11+s14+$0x0], $0xffff;
	v11 =	vor.u32 $0xD, v3  }
0x96: {  	v14 =	vld.idx.msk [tilespmem:v7+s13+$0x0], $0xffff  }
0x97: {  	v4 =	vadd.f32 v5, v4;
	v5 =	vmul.f32 v6, v15;
	v6 =	vld.idx.msk [tilespmem:v7+s14+$0x0], $0xffff;
	v7 =	vor.u32 $0xE, v3  }
0x98: {  	v15 =	vld.idx.msk [tilespmem:v10+s13+$0x0], $0xffff  }
0x99: {  	v4 =	vadd.f32 v5, v4;
	v5 =	vmul.f32 v9, v12;
	v9 =	vld.idx.msk [tilespmem:v10+s14+$0x0], $0xffff;
	v10 =	vor.u32 $0xF, v3  }
0x9a: {  	v12 =	vld.idx.msk [tilespmem:v11+s13+$0x0], $0xffff  }
0x9b: {  	v4 =	vadd.f32 v5, v4;
	v5 =	vmul.f32 v8, v13;
	v8 =	vld.idx.msk [tilespmem:v11+s14+$0x0], $0xffff;
	v11 =	vor.u32 $0x10, v3  }
0x9c: {  	v13 =	vld.idx.msk [tilespmem:v7+s13+$0x0], $0xffff  }
0x9d: {  	v4 =	vadd.f32 v5, v4;
	v5 =	vmul.f32 v6, v14;
	v6 =	vld.idx.msk [tilespmem:v7+s14+$0x0], $0xffff;
	v7 =	vor.u32 $0x11, v3  }
0x9e: {  	v14 =	vld.idx.msk [tilespmem:v10+s13+$0x0], $0xffff  }
0x9f: {  	v4 =	vadd.f32 v5, v4;
	v5 =	vmul.f32 v9, v15;
	v9 =	vld.idx.msk [tilespmem:v10+s14+$0x0], $0xffff;
	v10 =	vor.u32 $0x12, v3  }
0xa0: {  	v15 =	vld.idx.msk [tilespmem:v11+s13+$0x0], $0xffff  }
0xa1: {  	v4 =	vadd.f32 v5, v4;
	v5 =	vmul.f32 v8, v12;
	v8 =	vld.idx.msk [tilespmem:v11+s14+$0x0], $0xffff;
	v11 =	vor.u32 $0x13, v3  }
0xa2: {  	v12 =	vld.idx.msk [tilespmem:v7+s13+$0x0], $0xffff  }
0xa3: {  	v4 =	vadd.f32 v5, v4;
	v5 =	vmul.f32 v6, v13;
	v6 =	vld.idx.msk [tilespmem:v7+s14+$0x0], $0xffff;
	v7 =	vor.u32 $0x14, v3  }
0xa4: {  	v13 =	vld.idx.msk [tilespmem:v10+s13+$0x0], $0xffff  }
0xa5: {  	v4 =	vadd.f32 v5, v4;
	v5 =	vmul.f32 v9, v14;
	v9 =	vld.idx.msk [tilespmem:v10+s14+$0x0], $0xffff;
	v10 =	vor.u32 $0x15, v3  }
0xa6: {  	v14 =	vld.idx.msk [tilespmem:v11+s13+$0x0], $0xffff  }
0xa7: {  	v4 =	vadd.f32 v5, v4;
	v5 =	vmul.f32 v8, v15;
	v8 =	vld.idx.msk [tilespmem:v11+s14+$0x0], $0xffff;
	v11 =	vor.u32 $0x16, v3  }
0xa8: {  	v15 =	vld.idx.msk [tilespmem:v7+s13+$0x0], $0xffff  }
0xa9: {  	v4 =	vadd.f32 v5, v4;
	v5 =	vmul.f32 v6, v12;
	v6 =	vld.idx.msk [tilespmem:v7+s14+$0x0], $0xffff;
	v7 =	vor.u32 $0x17, v3  }
0xaa: {  	v12 =	vld.idx.msk [tilespmem:v10+s13+$0x0], $0xffff  }
0xab: {  	v4 =	vadd.f32 v5, v4;
	v5 =	vmul.f32 v9, v13;
	v9 =	vld.idx.msk [tilespmem:v10+s14+$0x0], $0xffff;
	v10 =	vor.u32 $0x18, v3  }
0xac: {  	v13 =	vld.idx.msk [tilespmem:v11+s13+$0x0], $0xffff  }
0xad: {  	v4 =	vadd.f32 v5, v4;
	v5 =	vmul.f32 v8, v14;
	v8 =	vld.idx.msk [tilespmem:v11+s14+$0x0], $0xffff;
	v11 =	vor.u32 $0x19, v3  }
0xae: {  	v14 =	vld.idx.msk [tilespmem:v7+s13+$0x0], $0xffff  }
0xaf: {  	v4 =	vadd.f32 v5, v4;
	v5 =	vmul.f32 v6, v15;
	v6 =	vld.idx.msk [tilespmem:v7+s14+$0x0], $0xffff;
	v7 =	vor.u32 $0x1A, v3  }
0xb0: {  	v15 =	vld.idx.msk [tilespmem:v10+s13+$0x0], $0xffff  }
0xb1: {  	v4 =	vadd.f32 v5, v4;
	v5 =	vmul.f32 v9, v12;
	v9 =	vld.idx.msk [tilespmem:v10+s14+$0x0], $0xffff;
	v10 =	vor.u32 $0x1B, v3  }
0xb2: {  	v12 =	vld.idx.msk [tilespmem:v11+s13+$0x0], $0xffff  }
0xb3: {  	v4 =	vadd.f32 v5, v4;
	v5 =	vmul.f32 v8, v13;
	v8 =	vld.idx.msk [tilespmem:v11+s14+$0x0], $0xffff;
	v11 =	vor.u32 $0x1C, v3  }
0xb4: {  	v13 =	vld.idx.msk [tilespmem:v7+s13+$0x0], $0xffff  }
0xb5: {  	v4 =	vadd.f32 v5, v4;
	v5 =	vmul.f32 v6, v14;
	v6 =	vld.idx.msk [tilespmem:v7+s14+$0x0], $0xffff;
	v7 =	vor.u32 $0x1D, v3  }
0xb6: {  	v14 =	vld.idx.msk [tilespmem:v10+s13+$0x0], $0xffff  }
0xb7: {  	v4 =	vadd.f32 v5, v4;
	v5 =	vmul.f32 v9, v15;
	v9 =	vld.idx.msk [tilespmem:v10+s14+$0x0], $0xffff;
	v10 =	vor.u32 $0x1E, v3  }
0xb8: {  	v15 =	vld.idx.msk [tilespmem:v11+s13+$0x0], $0xffff  }
0xb9: {  	v3 =	vor.u32 $0x1F, v3;
	v4 =	vadd.f32 v5, v4;
	v5 =	vmul.f32 v8, v12;
	v8 =	vld.idx.msk [tilespmem:v11+s14+$0x0], $0xffff  }
0xba: {  	v11 =	vld.idx.msk [tilespmem:v7+s13+$0x0], $0xffff  }
0xbb: {  	v4 =	vadd.f32 v5, v4;
	v5 =	vmul.f32 v6, v13;
	v6 =	vld.idx.msk [tilespmem:v7+s14+$0x0], $0xffff  }
0xbc: {  	v7 =	vld.idx.msk [tilespmem:v10+s13+$0x0], $0xffff  }
0xbd: {  	v4 =	vadd.f32 v5, v4;
	v5 =	vmul.f32 v9, v14;
	v9 =	vld.idx.msk [tilespmem:v10+s14+$0x0], $0xffff  }
0xbe: {  	v10 =	vld.idx.msk [tilespmem:v3+s13+$0x0], $0xffff  }
0xbf: {  	v4 =	vadd.f32 v5, v4;
	v5 =	vmul.f32 v8, v15;
	v8 =	vld.idx.msk [tilespmem:v3+s14+$0x0], $0xffff;
	_ =	sdelay $0x1  }
.Ltmp1:
0xc0: {  	v3 =	vadd.f32 v5, v4;
	v4 =	vmul.f32 v6, v11;
	(pc) =	sbr.rel @p0 .LBB2_4-.Ltmp1, $4  }
0xc1: {  	_ = 	snop  }
0xc2: {  	v5 =	vadd.f32 v4, v3;
	v6 =	vmul.f32 v9, v7  }
0xc3: {  	v3 =	vor.u32 s20, v0  }
0xc4: {  	s20 =	sadd.s32 $0x10, s20;
	v4 =	vand.u32 v1, v3;
	v5 =	vadd.f32 v6, v5;
	v6 =	vmul.f32 v8, v10  }
0xc5: {  	_ =	sdelay $0x1  }
0xc6: {  	v3 =	vshll.u32 v3, $0x5;
	v5 =	vadd.f32 v6, v5;
	_ =	sdelay $0x1  }
0xc7: {  	v45 =	vor.u32 $0x1, v3;
	[tilespmem:v2+s18+$0x0] =	vst.idx.msk $0xffff, v5  }
0xc8: {  	v2 =	vld.idx.msk [tilespmem:v4+s16+$0x0], $0xffff  }
0xc9: {  	v7 =	vor.u32 $0x2, v3;
	v5 =	vld.idx.msk [tilespmem:v4+s15+$0x0], $0xffff  }
0xca: {  	v8 =	vld.idx.msk [tilespmem:v3+s13+$0x0], $0xffff  }
0xcb: {  	v10 =	vor.u32 $0x3, v3;
	v9 =	vld.idx.msk [tilespmem:v3+s14+$0x0], $0xffff  }
0xcc: {  	v11 =	vld.idx.msk [tilespmem:v45+s13+$0x0], $0xffff  }
0xcd: {  	v12 =	vor.u32 $0x4, v3;
	v6 =	vld.idx.msk [tilespmem:v45+s14+$0x0], $0xffff  }
0xce: {  	v13 =	vld.idx.msk [tilespmem:v7+s13+$0x0], $0xffff;
	v2 =	vadd.f32 v2, v5  }
0xcf: {  	v47 =	vor.u32 $0x5, v3;
	v46 =	vld.idx.msk [tilespmem:v7+s14+$0x0], $0xffff  }
0xd0: {  	v14 =	vld.idx.msk [tilespmem:v10+s13+$0x0], $0xffff;
	v8 =	vmul.f32 v9, v8;
	v2 =	vadd.f32 $3.500000000e+00, v2  }
0xd1: {  	v49 =	vor.u32 $0x6, v3;
	v48 =	vld.idx.msk [tilespmem:v10+s14+$0x0], $0xffff  }
0xd2: {  	v15 =	vld.idx.msk [tilespmem:v12+s13+$0x0], $0xffff;
	v6 =	vmul.f32 v6, v11;
	v2 =	vadd.f32 v8, v2  }
0xd3: {  	v51 =	vor.u32 $0x7, v3;
	v50 =	vld.idx.msk [tilespmem:v12+s14+$0x0], $0xffff  }
0xd4: {  	v52 =	vld.idx.msk [tilespmem:v47+s13+$0x0], $0xffff;
	v5 =	vmul.f32 v46, v13;
	v2 =	vadd.f32 v6, v2  }
0xd5: {  	v54 =	vor.u32 $0x8, v3;
	v53 =	vld.idx.msk [tilespmem:v47+s14+$0x0], $0xffff  }
0xd6: {  	v55 =	vld.idx.msk [tilespmem:v49+s13+$0x0], $0xffff;
	v56 =	vmul.f32 v48, v14;
	v2 =	vadd.f32 v5, v2  }
0xd7: {  	v58 =	vor.u32 $0x9, v3;
	v57 =	vld.idx.msk [tilespmem:v49+s14+$0x0], $0xffff  }
0xd8: {  	v59 =	vld.idx.msk [tilespmem:v51+s13+$0x0], $0xffff;
	v60 =	vmul.f32 v50, v15;
	v2 =	vadd.f32 v56, v2  }
0xd9: {  	v62 =	vor.u32 $0xA, v3;
	v61 =	vld.idx.msk [tilespmem:v51+s14+$0x0], $0xffff  }
0xda: {  	v63 =	vld.idx.msk [tilespmem:v54+s13+$0x0], $0xffff;
	v18 =	vmul.f32 v53, v52;
	v2 =	vadd.f32 v60, v2  }
0xdb: {  	v20 =	vor.u32 $0xB, v3;
	v19 =	vld.idx.msk [tilespmem:v54+s14+$0x0], $0xffff  }
0xdc: {  	v21 =	vld.idx.msk [tilespmem:v58+s13+$0x0], $0xffff;
	v22 =	vmul.f32 v57, v55;
	v2 =	vadd.f32 v18, v2  }
0xdd: {  	v24 =	vor.u32 $0xC, v3;
	v23 =	vld.idx.msk [tilespmem:v58+s14+$0x0], $0xffff  }
0xde: {  	v25 =	vld.idx.msk [tilespmem:v62+s13+$0x0], $0xffff;
	v26 =	vmul.f32 v61, v59;
	v2 =	vadd.f32 v22, v2  }
0xdf: {  	v28 =	vor.u32 $0xD, v3;
	v27 =	vld.idx.msk [tilespmem:v62+s14+$0x0], $0xffff  }
0xe0: {  	v29 =	vld.idx.msk [tilespmem:v20+s13+$0x0], $0xffff;
	v30 =	vmul.f32 v19, v63;
	v2 =	vadd.f32 v26, v2  }
0xe1: {  	v32 =	vor.u32 $0xE, v3;
	v31 =	vld.idx.msk [tilespmem:v20+s14+$0x0], $0xffff  }
0xe2: {  	v33 =	vld.idx.msk [tilespmem:v24+s13+$0x0], $0xffff;
	v34 =	vmul.f32 v23, v21;
	v2 =	vadd.f32 v30, v2  }
0xe3: {  	v36 =	vor.u32 $0xF, v3;
	v35 =	vld.idx.msk [tilespmem:v24+s14+$0x0], $0xffff  }
0xe4: {  	v37 =	vld.idx.msk [tilespmem:v28+s13+$0x0], $0xffff;
	v38 =	vmul.f32 v27, v25;
	v2 =	vadd.f32 v34, v2  }
0xe5: {  	v40 =	vor.u32 $0x10, v3;
	v39 =	vld.idx.msk [tilespmem:v28+s14+$0x0], $0xffff  }
0xe6: {  	v41 =	vld.idx.msk [tilespmem:v32+s13+$0x0], $0xffff;
	v42 =	vmul.f32 v31, v29;
	v2 =	vadd.f32 v38, v2  }
0xe7: {  	v44 =	vor.u32 $0x11, v3;
	v43 =	vld.idx.msk [tilespmem:v32+s14+$0x0], $0xffff  }
0xe8: {  	v45 =	vld.idx.msk [tilespmem:v36+s13+$0x0], $0xffff;
	v46 =	vmul.f32 v35, v33;
	v2 =	vadd.f32 v42, v2  }
0xe9: {  	v47 =	vld.idx.msk [tilespmem:v36+s14+$0x0], $0xffff;
	v48 =	vor.u32 $0x12, v3  }
0xea: {  	v49 =	vld.idx.msk [tilespmem:v40+s13+$0x0], $0xffff;
	v50 =	vmul.f32 v39, v37;
	v2 =	vadd.f32 v46, v2  }
0xeb: {  	v51 =	vld.idx.msk [tilespmem:v40+s14+$0x0], $0xffff;
	v52 =	vor.u32 $0x13, v3  }
0xec: {  	v53 =	vld.idx.msk [tilespmem:v44+s13+$0x0], $0xffff;
	v54 =	vmul.f32 v43, v41;
	v2 =	vadd.f32 v50, v2  }
0xed: {  	v55 =	vld.idx.msk [tilespmem:v44+s14+$0x0], $0xffff;
	v56 =	vor.u32 $0x14, v3  }
0xee: {  	v58 =	vmul.f32 v47, v45;
	v57 =	vld.idx.msk [tilespmem:v48+s13+$0x0], $0xffff;
	v2 =	vadd.f32 v54, v2  }
0xef: {  	v59 =	vld.idx.msk [tilespmem:v48+s14+$0x0], $0xffff;
	v60 =	vor.u32 $0x15, v3  }
0xf0: {  	v62 =	vmul.f32 v51, v49;
	v61 =	vld.idx.msk [tilespmem:v52+s13+$0x0], $0xffff;
	v2 =	vadd.f32 v58, v2  }
0xf1: {  	v63 =	vld.idx.msk [tilespmem:v52+s14+$0x0], $0xffff;
	v18 =	vor.u32 $0x16, v3  }
0xf2: {  	v20 =	vmul.f32 v55, v53;
	v19 =	vld.idx.msk [tilespmem:v56+s13+$0x0], $0xffff;
	v2 =	vadd.f32 v62, v2  }
0xf3: {  	v21 =	vld.idx.msk [tilespmem:v56+s14+$0x0], $0xffff;
	v22 =	vor.u32 $0x17, v3  }
0xf4: {  	v24 =	vmul.f32 v59, v57;
	v23 =	vld.idx.msk [tilespmem:v60+s13+$0x0], $0xffff;
	v2 =	vadd.f32 v20, v2  }
0xf5: {  	v25 =	vld.idx.msk [tilespmem:v60+s14+$0x0], $0xffff;
	v26 =	vor.u32 $0x18, v3  }
0xf6: {  	v28 =	vmul.f32 v63, v61;
	v27 =	vld.idx.msk [tilespmem:v18+s13+$0x0], $0xffff;
	v2 =	vadd.f32 v24, v2  }
0xf7: {  	v29 =	vld.idx.msk [tilespmem:v18+s14+$0x0], $0xffff;
	v30 =	vor.u32 $0x19, v3  }
0xf8: {  	v32 =	vmul.f32 v21, v19;
	v31 =	vld.idx.msk [tilespmem:v22+s13+$0x0], $0xffff;
	v2 =	vadd.f32 v28, v2  }
0xf9: {  	v33 =	vld.idx.msk [tilespmem:v22+s14+$0x0], $0xffff;
	v34 =	vor.u32 $0x1A, v3  }
0xfa: {  	v36 =	vmul.f32 v25, v23;
	v35 =	vld.idx.msk [tilespmem:v26+s13+$0x0], $0xffff;
	v2 =	vadd.f32 v32, v2  }
0xfb: {  	v37 =	vld.idx.msk [tilespmem:v26+s14+$0x0], $0xffff;
	v38 =	vor.u32 $0x1B, v3  }
0xfc: {  	v40 =	vmul.f32 v29, v27;
	v39 =	vld.idx.msk [tilespmem:v30+s13+$0x0], $0xffff;
	v2 =	vadd.f32 v36, v2  }
0xfd: {  	v41 =	vld.idx.msk [tilespmem:v30+s14+$0x0], $0xffff;
	v42 =	vor.u32 $0x1C, v3  }
0xfe: {  	v44 =	vmul.f32 v33, v31;
	v43 =	vld.idx.msk [tilespmem:v34+s13+$0x0], $0xffff;
	v2 =	vadd.f32 v40, v2  }
0xff: {  	v45 =	vld.idx.msk [tilespmem:v34+s14+$0x0], $0xffff;
	v46 =	vor.u32 $0x1D, v3  }
0x100: {  	v48 =	vmul.f32 v37, v35;
	v47 =	vld.idx.msk [tilespmem:v38+s13+$0x0], $0xffff;
	v2 =	vadd.f32 v44, v2  }
0x101: {  	v49 =	vld.idx.msk [tilespmem:v38+s14+$0x0], $0xffff;
	v50 =	vor.u32 $0x1E, v3  }
0x102: {  	v52 =	vmul.f32 v41, v39;
	v51 =	vld.idx.msk [tilespmem:v42+s13+$0x0], $0xffff;
	v2 =	vadd.f32 v48, v2  }
0x103: {  	v3 =	vor.u32 $0x1F, v3;
	v53 =	vld.idx.msk [tilespmem:v42+s14+$0x0], $0xffff  }
0x104: {  	v55 =	vmul.f32 v45, v43;
	v54 =	vld.idx.msk [tilespmem:v46+s13+$0x0], $0xffff;
	v2 =	vadd.f32 v52, v2  }
0x105: {  	v56 =	vld.idx.msk [tilespmem:v46+s14+$0x0], $0xffff  }
0x106: {  	v58 =	vmul.f32 v49, v47;
	v57 =	vld.idx.msk [tilespmem:v50+s13+$0x0], $0xffff;
	v2 =	vadd.f32 v55, v2  }
0x107: {  	v59 =	vld.idx.msk [tilespmem:v50+s14+$0x0], $0xffff  }
0x108: {  	v60 =	vld.idx.msk [tilespmem:v3+s13+$0x0], $0xffff;
	v61 =	vmul.f32 v53, v51;
	v2 =	vadd.f32 v58, v2  }
0x109: {  	v3 =	vld.idx.msk [tilespmem:v3+s14+$0x0], $0xffff  }
0x10a: {  	v62 =	vmul.f32 v56, v54;
	v2 =	vadd.f32 v61, v2;
	_ =	sdelay $0x1  }
0x10b: {  	v63 =	vmul.f32 v59, v57;
	v2 =	vadd.f32 v62, v2;
	_ =	sdelay $0x1  }
0x10c: {  	v3 =	vmul.f32 v3, v60;
	v2 =	vadd.f32 v63, v2;
	_ =	sdelay $0x1  }
0x10d: {  	s19 =	sadd.s32 $0x1, s19;
	v2 =	vadd.f32 v3, v2  }
0x10e: {  	p0 =	sne.s32 s19, s10  }
.Ltmp2:
0x10f: {  	[tilespmem:v4+s18+$0x0] =	vst.idx.msk $0xffff, v2;
	(pc) =	sbr.rel @p0 .LBB2_1-.Ltmp2, $4  }
0x110: {  	[hbm4b:s9+s3] =	stream.linear.scatter [tilespmem:s18], [sflag:$0x2], $0x200, $0x38;
	[tilespmem:$0x8A00] =	vst v63  }
0x111: {  	_ =	swait.ge [sflag:s11], $0x200  }
0x112: {  	[sflag:s11] =	ssyncset.done $0x0  }
0x113: {  	[sflag:s11] =	ssyncadd.s32 $0xFFFFFE00  }
0x114: {  	_ =	sfence.sel $0x180000  }
0x115: {  	[bflag:$0x0] =	sbarrier.arrive $0xFFFF  }
0x116: {  	p0 =	sne.s32 s1, $0x0;
	_ =	strace $0x90000047  }
0x117: {  	s0 =	sadd.s32 @!p0 $0x100000, s0;
	[bflag:$0x2] =	sbarrier.arrive $0xFFFF  }
0x118: {  	[sflag:s0] =	ssyncadd.tile.s32 @!p0 $0x1;
	_ =	shalt  }
.Lfunc_end2:
_tile_overlayer_lowered:
.L_overlay_start_2:
0x119: {  	(tag) =	ssettag $0x2  }
0x11a: {  	s0 =	rddreg [dreg:$0x0];
	s2 =	stileid.u32  }
0x11b: {  	s1 =	rddreg [dreg:$0x1];
	p0 =	sne.s32 s2, $0x0  }
0x11c: {  	s3 =	rddreg [dreg:$0x2];
	[bflag:$0x3] =	sbarrier.arrive $0xFFFF;
	s2 =	simm.s32 @!p0 $0x1C02  }
0x11d: {  	[timem:s3], [sflag:s2] =	dma.local @!p0 [hbm:s0], s1  }
0x11e: {  	s0 =	simm.s32 @!p0 $0x2  }
0x11f: {  	_ =	swait.ge @!p0 [sflag:s0], s1  }
0x120: {  	s1 =	ssub.s32 @!p0 $0x0, s1;
	[sflag:s0] =	ssyncset.done @!p0 $0x0  }
0x121: {  	[sflag:s0] =	ssyncadd.s32 @!p0 s1  }
0x122: {  	[bflag:$0x3] =	sbarrier.arrive $0xFFFF  }
0x123: {  	_ =	shalt  }

</sc_bundles>
